<compile_context>
chip_gen: v7x
topology: tpu7x:2x2x1
jax: 0.10.2.dev20260603
libtpu: 0.0.44.dev20260713+nightly
codegen_flags: <defaults>
</compile_context>

<pallas_src>
import functools

import jax
import jax.numpy as jnp
from jax import lax
from jax.experimental import pallas as pl
from jax.experimental.pallas import tpu as pltpu
from jax.experimental.pallas import tpu_sc as plsc

B, C, H, W = 8, 1, 512, 512
P = H * W
TOTAL = B * P
NWORK = 32
PER_W = TOTAL // NWORK
ROWS_W = PER_W // 256
CH_ROWS = 128
NCHUNK = ROWS_W // CH_ROWS
NB = 2048
HIVAL = 8.0
SCALE = (NB - 1) / HIVAL
DELTA = HIVAL / (NB - 1)
LANES = 16


def _tc_pre_body(pred_ref, tgt_ref, packed_ref):
    def code(jj):
        p = pred_ref[0, 0, :, pl.ds(jj * 128, 128)]
        ti = tgt_ref[0, 0, :, pl.ds(jj * 128, 128)]
        neg = ti == 0
        sel = jnp.where(neg, jnp.float32(SCALE), jnp.float32(-SCALE))
        t = (SCALE + 1.0) + sel * p
        b = t.astype(jnp.int32)
        b = jnp.maximum(jnp.minimum(b, NB - 1), 0)
        return jnp.bitwise_or(b, jnp.where(neg, jnp.int32(1 << 11), jnp.int32(0)))

    for half in range(2):
        k2 = jnp.bitwise_or(
            code(2 * half), jnp.left_shift(code(2 * half + 1), 16)
        )
        packed_ref[pl.ds(half * H, H), :] = k2


def _tc_prepass(pred, tgt):
    return pl.pallas_call(
        _tc_pre_body,
        grid=(B,),
        in_specs=[
            pl.BlockSpec((1, 1, H, W), lambda i: (i, 0, 0, 0)),
            pl.BlockSpec((1, 1, H, W), lambda i: (i, 0, 0, 0)),
        ],
        out_specs=pl.BlockSpec((2 * H, 128), lambda i: (i, 0)),
        out_shape=jax.ShapeDtypeStruct((TOTAL // 256, 128), jnp.int32),
    )(pred, tgt)


def _tc_bce_body(pred_ref, tgt_ref, bce_ref, gts_ref):
    bce_acc = jnp.float32(0.0)
    gts_acc = jnp.float32(0.0)
    for jj in range(4):
        p = pred_ref[0, 0, :, pl.ds(jj * 128, 128)]
        ti = tgt_ref[0, 0, :, pl.ds(jj * 128, 128)]
        neg = ti == 0
        py = jnp.where(neg, jnp.float32(0.0), p)
        bce_acc += jnp.sum(jnp.log1p(jnp.exp(p)) - py)
        gts_acc += jnp.sum(jnp.where(neg, jnp.float32(0.0), jnp.float32(1.0)))

    bce_ref[...] = jnp.full((1, 1, 128), bce_acc, jnp.float32)
    gts_ref[...] = jnp.full((1, 1, 128), gts_acc, jnp.float32)


def _tc_bce(pred, tgt):
    return pl.pallas_call(
        _tc_bce_body,
        grid=(B,),
        in_specs=[
            pl.BlockSpec((1, 1, H, W), lambda i: (i, 0, 0, 0)),
            pl.BlockSpec((1, 1, H, W), lambda i: (i, 0, 0, 0)),
        ],
        out_specs=[
            pl.BlockSpec((1, 1, 128), lambda i: (i, 0, 0)),
            pl.BlockSpec((1, 1, 128), lambda i: (i, 0, 0)),
        ],
        out_shape=[
            jax.ShapeDtypeStruct((B, 1, 128), jnp.float32),
            jax.ShapeDtypeStruct((B, 1, 128), jnp.float32),
        ],
    )(pred, tgt)


def _sc_hist_body(packed_hbm, out_hbm, hist_v, mbuf, kbuf, sem_k):
    wid = lax.axis_index("s") * 2 + lax.axis_index("c")
    row0 = wid * ROWS_W

    def start(c, slot):
        return pltpu.async_copy(
            packed_hbm.at[pl.ds(row0 + c * CH_ROWS, CH_ROWS)], kbuf.at[slot], sem_k
        )

    pend = start(0, 0)

    def _zero(k, _):
        for l in range(LANES):
            hist_v[pl.ds((k * LANES + l) * LANES, LANES)] = jnp.zeros(
                (LANES,), jnp.int32
            )
        return _

    lax.fori_loop(0, NB // LANES, _zero, None)

    lane_base = lax.iota(jnp.int32, LANES) * NB

    def process(slot):
        def _pr(row, _):
            ws = []
            for cc in range(8):
                ws.append(kbuf[slot, row, pl.ds(cc * LANES, LANES)])
            parts = []
            for w in ws:
                parts.append(w)
                parts.append(jax.lax.shift_right_logical(w, 16))
            idxs = [
                jnp.bitwise_or(lane_base, jnp.bitwise_and(t, NB - 1)) for t in parts
            ]
            vals = [
                jnp.bitwise_or(
                    jnp.left_shift(jnp.bitwise_and(t, jnp.int32(1 << 11)), 5),
                    jnp.int32(1),
                )
                for t in parts
            ]
            for idx, val in zip(idxs, vals):
                plsc.addupdate_scatter(hist_v, [idx], val)
            return _

        lax.fori_loop(0, CH_ROWS, _pr, None)

    for c in range(NCHUNK):
        slot = c % 2
        pend.wait()
        if c + 1 < NCHUNK:
            pend = start(c + 1, 1 - slot)
        process(slot)

    def _merge(j, _):
        col = j * LANES
        acc = hist_v[pl.ds(col, LANES)]
        for l in range(1, LANES):
            acc = acc + hist_v[pl.ds(l * NB + col, LANES)]
        mbuf[pl.ds(col, LANES)] = acc
        return _

    lax.fori_loop(0, NB // LANES, _merge, None)

    pltpu.sync_copy(mbuf, out_hbm.at[pl.ds(wid * NB, NB)])


def _sc_histograms(packed):
    mesh = plsc.VectorSubcoreMesh(
        core_axis_name="c", subcore_axis_name="s", num_cores=2, num_subcores=16
    )
    fn = pl.kernel(
        _sc_hist_body,
        out_type=jax.ShapeDtypeStruct((NWORK * NB,), jnp.int32),
        mesh=mesh,
        scratch_types=[
            pltpu.VMEM((LANES * NB,), jnp.int32),
            pltpu.VMEM((NB,), jnp.int32),
            pltpu.VMEM((2, CH_ROWS, 128), jnp.int32),
            pltpu.SemaphoreType.DMA,
        ],
        compiler_params=pltpu.CompilerParams(
            needs_layout_passes=False, use_tc_tiling_on_sc=False
        ),
    )
    return fn(packed)


ROWS = NB // 128


def _prefix_inc(x, utri, ltri):
    rowpref = jax.lax.dot_general(
        x, utri, (((1,), (0,)), ((), ())), preferred_element_type=jnp.float32
    )
    row_tot = rowpref[:, 127:128]
    offs = jax.lax.dot_general(
        ltri, row_tot, (((1,), (0,)), ((), ())), preferred_element_type=jnp.float32
    )
    return rowpref + offs


def _tc_fin_body(hist_ref, gts_ref, bce_ref, fin_ref):
    h = hist_ref[...]
    hs = jnp.sum(h.reshape(B, 4, ROWS, 128), axis=1).reshape(B * ROWS, 128)

    ir = lax.broadcasted_iota(jnp.int32, (B * ROWS, 128), 0)
    ic = lax.broadcasted_iota(jnp.int32, (B * ROWS, 128), 1)
    bidx = (ir % ROWS) * 128 + ic
    mask = (bidx >= 1).astype(jnp.float32)
    v = (bidx.astype(jnp.float32) - 0.5) * DELTA

    c_neg = jax.lax.shift_right_logical(hs, 16).astype(jnp.float32) * mask
    c_all = jnp.bitwise_and(hs, 0xFFFF).astype(jnp.float32) * mask
    vc = v * c_all

    rr = lax.broadcasted_iota(jnp.int32, (B * ROWS, B * ROWS), 0)
    cc = lax.broadcasted_iota(jnp.int32, (B * ROWS, B * ROWS), 1)
    same_img = (rr // ROWS) == (cc // ROWS)
    utri = (
        lax.broadcasted_iota(jnp.int32, (128, 128), 0)
        <= lax.broadcasted_iota(jnp.int32, (128, 128), 1)
    ).astype(jnp.float32)
    lblk = (same_img & (cc < rr)).astype(jnp.float32)
    ablk = same_img.astype(jnp.float32)

    def mm(a, b):
        return jax.lax.dot_general(
            a, b, (((1,), (0,)), ((), ())), preferred_element_type=jnp.float32
        )

    def prefix_and_total(x):
        rowpref = mm(x, utri)
        row_tot = rowpref[:, 127:128]
        return rowpref + mm(lblk, row_tot), mm(ablk, row_tot)

    p_all, t_all = prefix_and_total(c_all)
    p_neg, t_neg = prefix_and_total(c_neg)
    p_vc, t_vc = prefix_and_total(vc)

    g8 = gts_ref[...][:, 0, 0:1]
    sel8 = ((rr // ROWS) == cc).astype(jnp.float32)[:, :B]
    gcol = jnp.maximum(mm(sel8, g8), 1.0)

    kk = t_all - p_all
    nn = t_neg - p_neg
    ff = v * kk + p_vc
    gn = gcol + nn
    terms = ff * c_neg / (gn * (gn + c_neg))
    lov_sum = jnp.sum(t_vc[:, 0:1] / gcol) / ROWS - jnp.sum(terms * mask)

    bce_sum = jnp.sum(bce_ref[...][:, :, 0])
    fin = 0.5 * lov_sum / B + 0.5 * bce_sum / TOTAL
    fin_ref[...] = jnp.full((1, 1, 128), fin, jnp.float32)


def _tc_finish(hist, gts, bce):
    return pl.pallas_call(
        _tc_fin_body,
        grid=(1,),
        in_specs=[
            pl.BlockSpec((NWORK * NB // 128, 128), lambda i: (0, 0)),
            pl.BlockSpec((B, 1, 128), lambda i: (0, 0, 0)),
            pl.BlockSpec((B, 1, 128), lambda i: (0, 0, 0)),
        ],
        out_specs=pl.BlockSpec((1, 1, 128), lambda i: (0, 0, 0)),
        out_shape=jax.ShapeDtypeStruct((1, 1, 128), jnp.float32),
    )(hist, gts, bce)


@jax.jit
def kernel(pred, target):
    tgt_i = target.astype(jnp.int32)
    packed = _tc_prepass(pred, tgt_i)
    hist = _sc_histograms(packed)
    bce, gts = _tc_bce(pred, tgt_i)
    fin = _tc_finish(hist.reshape(NWORK * NB // 128, 128), gts, bce)
    return fin[0, 0, 0]

# --- scband reference (transcript-rebuilt; emitter-appended) ---
"""Pipeline reference for scband-binary-bcelovasz-hinge-loss-16157666968101 (READ-ONLY COPY).

The authoritative reference and input builder live on the scoring server;
editing this copy changes nothing except your own understanding.
"""

import jax, jax.numpy as jnp
import numpy as np

B, C, H, W = 8, 1, 512, 512


def lovasz_grad(gt_sorted):
    gts = jnp.sum(gt_sorted)
    intersection = gts - jnp.cumsum(gt_sorted, axis=0)
    union = gts + jnp.cumsum(1.0 - gt_sorted, axis=0)
    jaccard = 1.0 - intersection / union
    jaccard = jnp.concatenate([jaccard[:1], jaccard[1:] - jaccard[:-1]], axis=0)
    return jaccard


def lovasz_hinge_flat(logits, labels):
    # logits: [P] float, labels: [P] float in {0,1}
    signs = 2.0 * labels - 1.0
    errors = 1.0 - logits * jax.lax.stop_gradient(signs)
    perm = jnp.argsort(-errors)  # descending sort
    errors_sorted = jnp.take(errors, perm)
    gt_sorted = jnp.take(labels, perm)
    grad = jax.lax.stop_gradient(lovasz_grad(gt_sorted))
    return jnp.dot(jax.nn.relu(errors_sorted), grad)


def setup_inputs(seed: int = 0) -> dict:
    key = jax.random.key(seed)
    k1, k2 = jax.random.split(key)
    pred = jax.random.normal(k1, (B, C, H, W), dtype=jnp.float32)
    target = jax.random.randint(k2, (B, C, H, W), 0, 2).astype(jnp.int64)
    return {"pred": pred, "target": target}


def reference(pred, target):
    alpha, beta = 0.5, 0.5
    tgt_f = target.astype(jnp.float32)
    # BCEWithLogitsLoss (mean reduction), numerically stable form
    bce = jnp.mean(jnp.maximum(pred, 0.0) - pred * tgt_f + jnp.log1p(jnp.exp(-jnp.abs(pred))))
    # LovaszHinge: squeeze channel dim, per-image flatten, per_image=True -> mean over images
    logits = pred.reshape(pred.shape[0], -1)
    labels = tgt_f.reshape(tgt_f.shape[0], -1)
    per_img = jax.vmap(lovasz_hinge_flat)(logits, labels)
    lovasz = jnp.mean(per_img)
    return alpha * lovasz + beta * bce

if __name__ == "__main__":
    import jax
    _d = setup_inputs()
    print(jax.jit(kernel)(*tuple(_d.values())))

</pallas_src>

<mosaic_0001>
#map = affine_map<(d0, d1) -> (0, 0)>
#map1 = affine_map<(d0, d1) -> (0)>
module attributes {stable_mosaic.version = 14 : i64} {
  func.func @_sc_hist_body(%arg0: i32, %arg1: i32, %arg2: memref<8192x128xi32, #tpu.memory_space<hbm>>, %arg3: memref<65536xi32, #tpu.memory_space<hbm>>, %arg4: memref<32768xi32, #tpu.memory_space<vmem>>, %arg5: memref<2048xi32, #tpu.memory_space<vmem>>, %arg6: memref<2x128x128xi32, #tpu.memory_space<vmem>>, %arg7: memref<!tpu.dma_semaphore, #tpu.memory_space<semaphore_mem>>) attributes {dimension_semantics = [#tpu.dimension_semantics<core_parallel>, #tpu.dimension_semantics<subcore_parallel>], iteration_bounds = array<i64: 2, 16>, scalar_prefetch = 0 : i64, scratch_operands = 4 : i64, tpu.core_type = #tpu.core_type<sc_vector_subcore>, window_params = [{transform_indices = #map}, {transform_indices = #map1}]} {
    %mul3A = arith.constant 2 : i32
    %mul3A_0 = arith.muli %arg1, %mul3A : i32
    %add3A = arith.addi %mul3A_0, %arg0 : i32
    %mul3A_1 = arith.constant 256 : i32
    %mul3A_2 = arith.muli %add3A, %mul3A_1 : i32
    %add3A_3 = arith.constant 0 : i32
    %add3A_4 = arith.addi %mul3A_2, %add3A_3 : i32
    %dma_start3A = arith.constant 0 : i32
    %dma_start3A_5 = arith.constant 0 : i32
    %dma_start3A_6 = arith.constant 0 : i32
    %dma_start3A_7 = tpu.memref_slice %arg6[%dma_start3A, %dma_start3A_5, %dma_start3A_6] : memref<2x128x128xi32, #tpu.memory_space<vmem>> -> memref<1x128x128xi32, #tpu.memory_space<vmem>>
    %dma_start3A_8 = tpu.memref_squeeze %dma_start3A_7 : memref<1x128x128xi32, #tpu.memory_space<vmem>> -> memref<128x128xi32, #tpu.memory_space<vmem>>
    %dma_start3A_9 = arith.constant 0 : i32
    %dma_start3A_10 = tpu.memref_slice %arg2[%add3A_4, %dma_start3A_9] : memref<8192x128xi32, #tpu.memory_space<hbm>> -> memref<128x128xi32, #tpu.memory_space<hbm>>
    %dma_start3A_11 = arith.constant 0 : i32
    %dma_start3A_12 = arith.constant 0 : i32
    %dma_start3A_13 = tpu.memref_slice %arg6[%dma_start3A, %dma_start3A_11, %dma_start3A_12] : memref<2x128x128xi32, #tpu.memory_space<vmem>> -> memref<1x128x128xi32, #tpu.memory_space<vmem>>
    %dma_start3A_14 = tpu.memref_squeeze %dma_start3A_13 : memref<1x128x128xi32, #tpu.memory_space<vmem>> -> memref<128x128xi32, #tpu.memory_space<vmem>>
    %dma_start3A_15 = arith.constant 0 : i32
    %dma_start3A_16 = tpu.memref_slice %arg2[%add3A_4, %dma_start3A_15] : memref<8192x128xi32, #tpu.memory_space<hbm>> -> memref<128x128xi32, #tpu.memory_space<hbm>>
    tpu.enqueue_dma source(%dma_start3A_16 : memref<128x128xi32, #tpu.memory_space<hbm>>) target(%dma_start3A_14 : memref<128x128xi32, #tpu.memory_space<vmem>>) target_semaphore(%arg7 : memref<!tpu.dma_semaphore, #tpu.memory_space<semaphore_mem>>)
    %scan3A = arith.constant 0 : i32
    %scan3A_17 = arith.constant 128 : i32
    %scan3A_18 = arith.addi %scan3A, %scan3A_17 : i32
    %scan3A_19 = arith.constant 1 : i32
    scf.for %scan3A_81 = %scan3A to %scan3A_18 step %scan3A_19  : i32 {
      %broadcast_in_dim3A = arith.constant 0 : i32
      %broadcast_in_dim3A_82 = vector.broadcast %broadcast_in_dim3A : i32 to vector<16xi32>
      %mul3A_83 = arith.constant 16 : i32
      %mul3A_84 = arith.muli %scan3A_81, %mul3A_83 : i32
      %add3A_85 = arith.constant 0 : i32
      %add3A_86 = arith.addi %mul3A_84, %add3A_85 : i32
      %mul3A_87 = arith.constant 16 : i32
      %mul3A_88 = arith.muli %add3A_86, %mul3A_87 : i32
      %swap3A = arith.index_cast %mul3A_88 : i32 to index
      %swap3A_89 = tpu.vector_load %arg4[%swap3A] {strides = array<i32>} : memref<32768xi32, #tpu.memory_space<vmem>>, vector<16xi32>,
      tpu.vector_store %arg4[%swap3A], %broadcast_in_dim3A_82 {strides = array<i32>} : memref<32768xi32, #tpu.memory_space<vmem>>, vector<16xi32>,
      %broadcast_in_dim3A_90 = arith.constant 0 : i32
      %broadcast_in_dim3A_91 = vector.broadcast %broadcast_in_dim3A_90 : i32 to vector<16xi32>
      %mul3A_92 = arith.constant 16 : i32
      %mul3A_93 = arith.muli %scan3A_81, %mul3A_92 : i32
      %add3A_94 = arith.constant 1 : i32
      %add3A_95 = arith.addi %mul3A_93, %add3A_94 : i32
      %mul3A_96 = arith.constant 16 : i32
      %mul3A_97 = arith.muli %add3A_95, %mul3A_96 : i32
      %swap3A_98 = arith.index_cast %mul3A_97 : i32 to index
      %swap3A_99 = tpu.vector_load %arg4[%swap3A_98] {strides = array<i32>} : memref<32768xi32, #tpu.memory_space<vmem>>, vector<16xi32>,
      tpu.vector_store %arg4[%swap3A_98], %broadcast_in_dim3A_91 {strides = array<i32>} : memref<32768xi32, #tpu.memory_space<vmem>>, vector<16xi32>,
      %broadcast_in_dim3A_100 = arith.constant 0 : i32
      %broadcast_in_dim3A_101 = vector.broadcast %broadcast_in_dim3A_100 : i32 to vector<16xi32>
      %mul3A_102 = arith.constant 16 : i32
      %mul3A_103 = arith.muli %scan3A_81, %mul3A_102 : i32
      %add3A_104 = arith.constant 2 : i32
      %add3A_105 = arith.addi %mul3A_103, %add3A_104 : i32
      %mul3A_106 = arith.constant 16 : i32
      %mul3A_107 = arith.muli %add3A_105, %mul3A_106 : i32
      %swap3A_108 = arith.index_cast %mul3A_107 : i32 to index
      %swap3A_109 = tpu.vector_load %arg4[%swap3A_108] {strides = array<i32>} : memref<32768xi32, #tpu.memory_space<vmem>>, vector<16xi32>,
      tpu.vector_store %arg4[%swap3A_108], %broadcast_in_dim3A_101 {strides = array<i32>} : memref<32768xi32, #tpu.memory_space<vmem>>, vector<16xi32>,
      %broadcast_in_dim3A_110 = arith.constant 0 : i32
      %broadcast_in_dim3A_111 = vector.broadcast %broadcast_in_dim3A_110 : i32 to vector<16xi32>
      %mul3A_112 = arith.constant 16 : i32
      %mul3A_113 = arith.muli %scan3A_81, %mul3A_112 : i32
      %add3A_114 = arith.constant 3 : i32
      %add3A_115 = arith.addi %mul3A_113, %add3A_114 : i32
      %mul3A_116 = arith.constant 16 : i32
      %mul3A_117 = arith.muli %add3A_115, %mul3A_116 : i32
      %swap3A_118 = arith.index_cast %mul3A_117 : i32 to index
      %swap3A_119 = tpu.vector_load %arg4[%swap3A_118] {strides = array<i32>} : memref<32768xi32, #tpu.memory_space<vmem>>, vector<16xi32>,
      tpu.vector_store %arg4[%swap3A_118], %broadcast_in_dim3A_111 {strides = array<i32>} : memref<32768xi32, #tpu.memory_space<vmem>>, vector<16xi32>,
      %broadcast_in_dim3A_120 = arith.constant 0 : i32
      %broadcast_in_dim3A_121 = vector.broadcast %broadcast_in_dim3A_120 : i32 to vector<16xi32>
      %mul3A_122 = arith.constant 16 : i32
      %mul3A_123 = arith.muli %scan3A_81, %mul3A_122 : i32
      %add3A_124 = arith.constant 4 : i32
      %add3A_125 = arith.addi %mul3A_123, %add3A_124 : i32
      %mul3A_126 = arith.constant 16 : i32
      %mul3A_127 = arith.muli %add3A_125, %mul3A_126 : i32
      %swap3A_128 = arith.index_cast %mul3A_127 : i32 to index
      %swap3A_129 = tpu.vector_load %arg4[%swap3A_128] {strides = array<i32>} : memref<32768xi32, #tpu.memory_space<vmem>>, vector<16xi32>,
      tpu.vector_store %arg4[%swap3A_128], %broadcast_in_dim3A_121 {strides = array<i32>} : memref<32768xi32, #tpu.memory_space<vmem>>, vector<16xi32>,
      %broadcast_in_dim3A_130 = arith.constant 0 : i32
      %broadcast_in_dim3A_131 = vector.broadcast %broadcast_in_dim3A_130 : i32 to vector<16xi32>
      %mul3A_132 = arith.constant 16 : i32
      %mul3A_133 = arith.muli %scan3A_81, %mul3A_132 : i32
      %add3A_134 = arith.constant 5 : i32
      %add3A_135 = arith.addi %mul3A_133, %add3A_134 : i32
      %mul3A_136 = arith.constant 16 : i32
      %mul3A_137 = arith.muli %add3A_135, %mul3A_136 : i32
      %swap3A_138 = arith.index_cast %mul3A_137 : i32 to index
      %swap3A_139 = tpu.vector_load %arg4[%swap3A_138] {strides = array<i32>} : memref<32768xi32, #tpu.memory_space<vmem>>, vector<16xi32>,
      tpu.vector_store %arg4[%swap3A_138], %broadcast_in_dim3A_131 {strides = array<i32>} : memref<32768xi32, #tpu.memory_space<vmem>>, vector<16xi32>,
      %broadcast_in_dim3A_140 = arith.constant 0 : i32
      %broadcast_in_dim3A_141 = vector.broadcast %broadcast_in_dim3A_140 : i32 to vector<16xi32>
      %mul3A_142 = arith.constant 16 : i32
      %mul3A_143 = arith.muli %scan3A_81, %mul3A_142 : i32
      %add3A_144 = arith.constant 6 : i32
      %add3A_145 = arith.addi %mul3A_143, %add3A_144 : i32
      %mul3A_146 = arith.constant 16 : i32
      %mul3A_147 = arith.muli %add3A_145, %mul3A_146 : i32
      %swap3A_148 = arith.index_cast %mul3A_147 : i32 to index
      %swap3A_149 = tpu.vector_load %arg4[%swap3A_148] {strides = array<i32>} : memref<32768xi32, #tpu.memory_space<vmem>>, vector<16xi32>,
      tpu.vector_store %arg4[%swap3A_148], %broadcast_in_dim3A_141 {strides = array<i32>} : memref<32768xi32, #tpu.memory_space<vmem>>, vector<16xi32>,
      %broadcast_in_dim3A_150 = arith.constant 0 : i32
      %broadcast_in_dim3A_151 = vector.broadcast %broadcast_in_dim3A_150 : i32 to vector<16xi32>
      %mul3A_152 = arith.constant 16 : i32
      %mul3A_153 = arith.muli %scan3A_81, %mul3A_152 : i32
      %add3A_154 = arith.constant 7 : i32
      %add3A_155 = arith.addi %mul3A_153, %add3A_154 : i32
      %mul3A_156 = arith.constant 16 : i32
      %mul3A_157 = arith.muli %add3A_155, %mul3A_156 : i32
      %swap3A_158 = arith.index_cast %mul3A_157 : i32 to index
      %swap3A_159 = tpu.vector_load %arg4[%swap3A_158] {strides = array<i32>} : memref<32768xi32, #tpu.memory_space<vmem>>, vector<16xi32>,
      tpu.vector_store %arg4[%swap3A_158], %broadcast_in_dim3A_151 {strides = array<i32>} : memref<32768xi32, #tpu.memory_space<vmem>>, vector<16xi32>,
      %broadcast_in_dim3A_160 = arith.constant 0 : i32
      %broadcast_in_dim3A_161 = vector.broadcast %broadcast_in_dim3A_160 : i32 to vector<16xi32>
      %mul3A_162 = arith.constant 16 : i32
      %mul3A_163 = arith.muli %scan3A_81, %mul3A_162 : i32
      %add3A_164 = arith.constant 8 : i32
      %add3A_165 = arith.addi %mul3A_163, %add3A_164 : i32
      %mul3A_166 = arith.constant 16 : i32
      %mul3A_167 = arith.muli %add3A_165, %mul3A_166 : i32
      %swap3A_168 = arith.index_cast %mul3A_167 : i32 to index
      %swap3A_169 = tpu.vector_load %arg4[%swap3A_168] {strides = array<i32>} : memref<32768xi32, #tpu.memory_space<vmem>>, vector<16xi32>,
      tpu.vector_store %arg4[%swap3A_168], %broadcast_in_dim3A_161 {strides = array<i32>} : memref<32768xi32, #tpu.memory_space<vmem>>, vector<16xi32>,
      %broadcast_in_dim3A_170 = arith.constant 0 : i32
      %broadcast_in_dim3A_171 = vector.broadcast %broadcast_in_dim3A_170 : i32 to vector<16xi32>
      %mul3A_172 = arith.constant 16 : i32
      %mul3A_173 = arith.muli %scan3A_81, %mul3A_172 : i32
      %add3A_174 = arith.constant 9 : i32
      %add3A_175 = arith.addi %mul3A_173, %add3A_174 : i32
      %mul3A_176 = arith.constant 16 : i32
      %mul3A_177 = arith.muli %add3A_175, %mul3A_176 : i32
      %swap3A_178 = arith.index_cast %mul3A_177 : i32 to index
      %swap3A_179 = tpu.vector_load %arg4[%swap3A_178] {strides = array<i32>} : memref<32768xi32, #tpu.memory_space<vmem>>, vector<16xi32>,
      tpu.vector_store %arg4[%swap3A_178], %broadcast_in_dim3A_171 {strides = array<i32>} : memref<32768xi32, #tpu.memory_space<vmem>>, vector<16xi32>,
      %broadcast_in_dim3A_180 = arith.constant 0 : i32
      %broadcast_in_dim3A_181 = vector.broadcast %broadcast_in_dim3A_180 : i32 to vector<16xi32>
      %mul3A_182 = arith.constant 16 : i32
      %mul3A_183 = arith.muli %scan3A_81, %mul3A_182 : i32
      %add3A_184 = arith.constant 10 : i32
      %add3A_185 = arith.addi %mul3A_183, %add3A_184 : i32
      %mul3A_186 = arith.constant 16 : i32
      %mul3A_187 = arith.muli %add3A_185, %mul3A_186 : i32
      %swap3A_188 = arith.index_cast %mul3A_187 : i32 to index
      %swap3A_189 = tpu.vector_load %arg4[%swap3A_188] {strides = array<i32>} : memref<32768xi32, #tpu.memory_space<vmem>>, vector<16xi32>,
      tpu.vector_store %arg4[%swap3A_188], %broadcast_in_dim3A_181 {strides = array<i32>} : memref<32768xi32, #tpu.memory_space<vmem>>, vector<16xi32>,
      %broadcast_in_dim3A_190 = arith.constant 0 : i32
      %broadcast_in_dim3A_191 = vector.broadcast %broadcast_in_dim3A_190 : i32 to vector<16xi32>
      %mul3A_192 = arith.constant 16 : i32
      %mul3A_193 = arith.muli %scan3A_81, %mul3A_192 : i32
      %add3A_194 = arith.constant 11 : i32
      %add3A_195 = arith.addi %mul3A_193, %add3A_194 : i32
      %mul3A_196 = arith.constant 16 : i32
      %mul3A_197 = arith.muli %add3A_195, %mul3A_196 : i32
      %swap3A_198 = arith.index_cast %mul3A_197 : i32 to index
      %swap3A_199 = tpu.vector_load %arg4[%swap3A_198] {strides = array<i32>} : memref<32768xi32, #tpu.memory_space<vmem>>, vector<16xi32>,
      tpu.vector_store %arg4[%swap3A_198], %broadcast_in_dim3A_191 {strides = array<i32>} : memref<32768xi32, #tpu.memory_space<vmem>>, vector<16xi32>,
      %broadcast_in_dim3A_200 = arith.constant 0 : i32
      %broadcast_in_dim3A_201 = vector.broadcast %broadcast_in_dim3A_200 : i32 to vector<16xi32>
      %mul3A_202 = arith.constant 16 : i32
      %mul3A_203 = arith.muli %scan3A_81, %mul3A_202 : i32
      %add3A_204 = arith.constant 12 : i32
      %add3A_205 = arith.addi %mul3A_203, %add3A_204 : i32
      %mul3A_206 = arith.constant 16 : i32
      %mul3A_207 = arith.muli %add3A_205, %mul3A_206 : i32
      %swap3A_208 = arith.index_cast %mul3A_207 : i32 to index
      %swap3A_209 = tpu.vector_load %arg4[%swap3A_208] {strides = array<i32>} : memref<32768xi32, #tpu.memory_space<vmem>>, vector<16xi32>,
      tpu.vector_store %arg4[%swap3A_208], %broadcast_in_dim3A_201 {strides = array<i32>} : memref<32768xi32, #tpu.memory_space<vmem>>, vector<16xi32>,
      %broadcast_in_dim3A_210 = arith.constant 0 : i32
      %broadcast_in_dim3A_211 = vector.broadcast %broadcast_in_dim3A_210 : i32 to vector<16xi32>
      %mul3A_212 = arith.constant 16 : i32
      %mul3A_213 = arith.muli %scan3A_81, %mul3A_212 : i32
      %add3A_214 = arith.constant 13 : i32
      %add3A_215 = arith.addi %mul3A_213, %add3A_214 : i32
      %mul3A_216 = arith.constant 16 : i32
      %mul3A_217 = arith.muli %add3A_215, %mul3A_216 : i32
      %swap3A_218 = arith.index_cast %mul3A_217 : i32 to index
      %swap3A_219 = tpu.vector_load %arg4[%swap3A_218] {strides = array<i32>} : memref<32768xi32, #tpu.memory_space<vmem>>, vector<16xi32>,
      tpu.vector_store %arg4[%swap3A_218], %broadcast_in_dim3A_211 {strides = array<i32>} : memref<32768xi32, #tpu.memory_space<vmem>>, vector<16xi32>,
      %broadcast_in_dim3A_220 = arith.constant 0 : i32
      %broadcast_in_dim3A_221 = vector.broadcast %broadcast_in_dim3A_220 : i32 to vector<16xi32>
      %mul3A_222 = arith.constant 16 : i32
      %mul3A_223 = arith.muli %scan3A_81, %mul3A_222 : i32
      %add3A_224 = arith.constant 14 : i32
      %add3A_225 = arith.addi %mul3A_223, %add3A_224 : i32
      %mul3A_226 = arith.constant 16 : i32
      %mul3A_227 = arith.muli %add3A_225, %mul3A_226 : i32
      %swap3A_228 = arith.index_cast %mul3A_227 : i32 to index
      %swap3A_229 = tpu.vector_load %arg4[%swap3A_228] {strides = array<i32>} : memref<32768xi32, #tpu.memory_space<vmem>>, vector<16xi32>,
      tpu.vector_store %arg4[%swap3A_228], %broadcast_in_dim3A_221 {strides = array<i32>} : memref<32768xi32, #tpu.memory_space<vmem>>, vector<16xi32>,
      %broadcast_in_dim3A_230 = arith.constant 0 : i32
      %broadcast_in_dim3A_231 = vector.broadcast %broadcast_in_dim3A_230 : i32 to vector<16xi32>
      %mul3A_232 = arith.constant 16 : i32
      %mul3A_233 = arith.muli %scan3A_81, %mul3A_232 : i32
      %add3A_234 = arith.constant 15 : i32
      %add3A_235 = arith.addi %mul3A_233, %add3A_234 : i32
      %mul3A_236 = arith.constant 16 : i32
      %mul3A_237 = arith.muli %add3A_235, %mul3A_236 : i32
      %swap3A_238 = arith.index_cast %mul3A_237 : i32 to index
      %swap3A_239 = tpu.vector_load %arg4[%swap3A_238] {strides = array<i32>} : memref<32768xi32, #tpu.memory_space<vmem>>, vector<16xi32>,
      tpu.vector_store %arg4[%swap3A_238], %broadcast_in_dim3A_231 {strides = array<i32>} : memref<32768xi32, #tpu.memory_space<vmem>>, vector<16xi32>,
    }
    %scan3A_20 = arith.constant 128 : i32
    %iota3A = tpu.iota {dimensions = array<i32: 0>} : vector<16xi32>
    %mul3A_21 = arith.constant 2048 : i32
    %mul3A_22 = vector.broadcast %mul3A_21 : i32 to vector<16xi32>
    %mul3A_23 = arith.muli %iota3A, %mul3A_22 : vector<16xi32>
    %dma_wait3A = arith.constant 0 : i32
    %dma_wait3A_24 = arith.constant 0 : i32
    %dma_wait3A_25 = arith.constant 0 : i32
    %dma_wait3A_26 = tpu.memref_slice %arg6[%dma_wait3A, %dma_wait3A_24, %dma_wait3A_25] : memref<2x128x128xi32, #tpu.memory_space<vmem>> -> memref<1x128x128xi32, #tpu.memory_space<vmem>>
    %dma_wait3A_27 = tpu.memref_squeeze %dma_wait3A_26 : memref<1x128x128xi32, #tpu.memory_space<vmem>> -> memref<128x128xi32, #tpu.memory_space<vmem>>
    %dma_wait3A_28 = arith.constant 0 : i32
    %dma_wait3A_29 = tpu.memref_slice %arg2[%add3A_4, %dma_wait3A_28] : memref<8192x128xi32, #tpu.memory_space<hbm>> -> memref<128x128xi32, #tpu.memory_space<hbm>>
    %dma_wait3A_30 = arith.constant 0 : i32
    %dma_wait3A_31 = arith.constant 0 : i32
    %dma_wait3A_32 = tpu.memref_slice %arg6[%dma_wait3A, %dma_wait3A_30, %dma_wait3A_31] : memref<2x128x128xi32, #tpu.memory_space<vmem>> -> memref<1x128x128xi32, #tpu.memory_space<vmem>>
    %dma_wait3A_33 = tpu.memref_squeeze %dma_wait3A_32 : memref<1x128x128xi32, #tpu.memory_space<vmem>> -> memref<128x128xi32, #tpu.memory_space<vmem>>
    %dma_wait3A_34 = arith.constant 0 : i32
    %dma_wait3A_35 = tpu.memref_slice %arg2[%add3A_4, %dma_wait3A_34] : memref<8192x128xi32, #tpu.memory_space<hbm>> -> memref<128x128xi32, #tpu.memory_space<hbm>>
    tpu.wait_dma2 semaphore(%arg7 : memref<!tpu.dma_semaphore, #tpu.memory_space<semaphore_mem>>) src(%dma_wait3A_35 : memref<128x128xi32, #tpu.memory_space<hbm>>) dst(%dma_wait3A_33 : memref<128x128xi32, #tpu.memory_space<vmem>>)
    %add3A_36 = arith.constant 128 : i32
    %add3A_37 = arith.addi %mul3A_2, %add3A_36 : i32
    %dma_start3A_38 = arith.constant 1 : i32
    %dma_start3A_39 = arith.constant 0 : i32
    %dma_start3A_40 = arith.constant 0 : i32
    %dma_start3A_41 = tpu.memref_slice %arg6[%dma_start3A_38, %dma_start3A_39, %dma_start3A_40] : memref<2x128x128xi32, #tpu.memory_space<vmem>> -> memref<1x128x128xi32, #tpu.memory_space<vmem>>
    %dma_start3A_42 = tpu.memref_squeeze %dma_start3A_41 : memref<1x128x128xi32, #tpu.memory_space<vmem>> -> memref<128x128xi32, #tpu.memory_space<vmem>>
    %dma_start3A_43 = arith.constant 0 : i32
    %dma_start3A_44 = tpu.memref_slice %arg2[%add3A_37, %dma_start3A_43] : memref<8192x128xi32, #tpu.memory_space<hbm>> -> memref<128x128xi32, #tpu.memory_space<hbm>>
    %dma_start3A_45 = arith.constant 0 : i32
    %dma_start3A_46 = arith.constant 0 : i32
    %dma_start3A_47 = tpu.memref_slice %arg6[%dma_start3A_38, %dma_start3A_45, %dma_start3A_46] : memref<2x128x128xi32, #tpu.memory_space<vmem>> -> memref<1x128x128xi32, #tpu.memory_space<vmem>>
    %dma_start3A_48 = tpu.memref_squeeze %dma_start3A_47 : memref<1x128x128xi32, #tpu.memory_space<vmem>> -> memref<128x128xi32, #tpu.memory_space<vmem>>
    %dma_start3A_49 = arith.constant 0 : i32
    %dma_start3A_50 = tpu.memref_slice %arg2[%add3A_37, %dma_start3A_49] : memref<8192x128xi32, #tpu.memory_space<hbm>> -> memref<128x128xi32, #tpu.memory_space<hbm>>
    tpu.enqueue_dma source(%dma_start3A_50 : memref<128x128xi32, #tpu.memory_space<hbm>>) target(%dma_start3A_48 : memref<128x128xi32, #tpu.memory_space<vmem>>) target_semaphore(%arg7 : memref<!tpu.dma_semaphore, #tpu.memory_space<semaphore_mem>>)
    %scan3A_51 = arith.constant 0 : i32
    %scan3A_52 = arith.constant 128 : i32
    %scan3A_53 = arith.addi %scan3A_51, %scan3A_52 : i32
    %scan3A_54 = arith.constant 1 : i32
    scf.for %scan3A_81 = %scan3A_51 to %scan3A_53 step %scan3A_54  : i32 {
      %get3A = arith.constant 0 : i32
      %get3A_82 = arith.index_cast %get3A : i32 to index
      %get3A_83 = arith.index_cast %scan3A_81 : i32 to index
      %get3A_84 = arith.constant 0 : index
      %get3A_85 = tpu.vector_load %arg6[%get3A_82, %get3A_83, %get3A_84] {strides = array<i32>} : memref<2x128x128xi32, #tpu.memory_space<vmem>>, vector<16xi32>,
      %get3A_86 = arith.constant 0 : i32
      %get3A_87 = arith.index_cast %get3A_86 : i32 to index
      %get3A_88 = arith.index_cast %scan3A_81 : i32 to index
      %get3A_89 = arith.constant 16 : index
      %get3A_90 = tpu.vector_load %arg6[%get3A_87, %get3A_88, %get3A_89] {strides = array<i32>} : memref<2x128x128xi32, #tpu.memory_space<vmem>>, vector<16xi32>,
      %get3A_91 = arith.constant 0 : i32
      %get3A_92 = arith.index_cast %get3A_91 : i32 to index
      %get3A_93 = arith.index_cast %scan3A_81 : i32 to index
      %get3A_94 = arith.constant 32 : index
      %get3A_95 = tpu.vector_load %arg6[%get3A_92, %get3A_93, %get3A_94] {strides = array<i32>} : memref<2x128x128xi32, #tpu.memory_space<vmem>>, vector<16xi32>,
      %get3A_96 = arith.constant 0 : i32
      %get3A_97 = arith.index_cast %get3A_96 : i32 to index
      %get3A_98 = arith.index_cast %scan3A_81 : i32 to index
      %get3A_99 = arith.constant 48 : index
      %get3A_100 = tpu.vector_load %arg6[%get3A_97, %get3A_98, %get3A_99] {strides = array<i32>} : memref<2x128x128xi32, #tpu.memory_space<vmem>>, vector<16xi32>,
      %get3A_101 = arith.constant 0 : i32
      %get3A_102 = arith.index_cast %get3A_101 : i32 to index
      %get3A_103 = arith.index_cast %scan3A_81 : i32 to index
      %get3A_104 = arith.constant 64 : index
      %get3A_105 = tpu.vector_load %arg6[%get3A_102, %get3A_103, %get3A_104] {strides = array<i32>} : memref<2x128x128xi32, #tpu.memory_space<vmem>>, vector<16xi32>,
      %get3A_106 = arith.constant 0 : i32
      %get3A_107 = arith.index_cast %get3A_106 : i32 to index
      %get3A_108 = arith.index_cast %scan3A_81 : i32 to index
      %get3A_109 = arith.constant 80 : index
      %get3A_110 = tpu.vector_load %arg6[%get3A_107, %get3A_108, %get3A_109] {strides = array<i32>} : memref<2x128x128xi32, #tpu.memory_space<vmem>>, vector<16xi32>,
      %get3A_111 = arith.constant 0 : i32
      %get3A_112 = arith.index_cast %get3A_111 : i32 to index
      %get3A_113 = arith.index_cast %scan3A_81 : i32 to index
      %get3A_114 = arith.constant 96 : index
      %get3A_115 = tpu.vector_load %arg6[%get3A_112, %get3A_113, %get3A_114] {strides = array<i32>} : memref<2x128x128xi32, #tpu.memory_space<vmem>>, vector<16xi32>,
      %get3A_116 = arith.constant 0 : i32
      %get3A_117 = arith.index_cast %get3A_116 : i32 to index
      %get3A_118 = arith.index_cast %scan3A_81 : i32 to index
      %get3A_119 = arith.constant 112 : index
      %get3A_120 = tpu.vector_load %arg6[%get3A_117, %get3A_118, %get3A_119] {strides = array<i32>} : memref<2x128x128xi32, #tpu.memory_space<vmem>>, vector<16xi32>,
      %shift_right_logical3A = arith.constant 16 : i32
      %shift_right_logical3A_121 = vector.broadcast %shift_right_logical3A : i32 to vector<16xi32>
      %shift_right_logical3A_122 = arith.shrui %get3A_85, %shift_right_logical3A_121 : vector<16xi32>
      %shift_right_logical3A_123 = arith.constant 16 : i32
      %shift_right_logical3A_124 = vector.broadcast %shift_right_logical3A_123 : i32 to vector<16xi32>
      %shift_right_logical3A_125 = arith.shrui %get3A_90, %shift_right_logical3A_124 : vector<16xi32>
      %shift_right_logical3A_126 = arith.constant 16 : i32
      %shift_right_logical3A_127 = vector.broadcast %shift_right_logical3A_126 : i32 to vector<16xi32>
      %shift_right_logical3A_128 = arith.shrui %get3A_95, %shift_right_logical3A_127 : vector<16xi32>
      %shift_right_logical3A_129 = arith.constant 16 : i32
      %shift_right_logical3A_130 = vector.broadcast %shift_right_logical3A_129 : i32 to vector<16xi32>
      %shift_right_logical3A_131 = arith.shrui %get3A_100, %shift_right_logical3A_130 : vector<16xi32>
      %shift_right_logical3A_132 = arith.constant 16 : i32
      %shift_right_logical3A_133 = vector.broadcast %shift_right_logical3A_132 : i32 to vector<16xi32>
      %shift_right_logical3A_134 = arith.shrui %get3A_105, %shift_right_logical3A_133 : vector<16xi32>
      %shift_right_logical3A_135 = arith.constant 16 : i32
      %shift_right_logical3A_136 = vector.broadcast %shift_right_logical3A_135 : i32 to vector<16xi32>
      %shift_right_logical3A_137 = arith.shrui %get3A_110, %shift_right_logical3A_136 : vector<16xi32>
      %shift_right_logical3A_138 = arith.constant 16 : i32
      %shift_right_logical3A_139 = vector.broadcast %shift_right_logical3A_138 : i32 to vector<16xi32>
      %shift_right_logical3A_140 = arith.shrui %get3A_115, %shift_right_logical3A_139 : vector<16xi32>
      %shift_right_logical3A_141 = arith.constant 16 : i32
      %shift_right_logical3A_142 = vector.broadcast %shift_right_logical3A_141 : i32 to vector<16xi32>
      %shift_right_logical3A_143 = arith.shrui %get3A_120, %shift_right_logical3A_142 : vector<16xi32>
      %and3A = arith.constant 2047 : i32
      %and3A_144 = vector.broadcast %and3A : i32 to vector<16xi32>
      %and3A_145 = arith.andi %get3A_85, %and3A_144 : vector<16xi32>
      %or3A = arith.ori %mul3A_23, %and3A_145 : vector<16xi32>
      %and3A_146 = arith.constant 2047 : i32
      %and3A_147 = vector.broadcast %and3A_146 : i32 to vector<16xi32>
      %and3A_148 = arith.andi %shift_right_logical3A_122, %and3A_147 : vector<16xi32>
      %or3A_149 = arith.ori %mul3A_23, %and3A_148 : vector<16xi32>
      %and3A_150 = arith.constant 2047 : i32
      %and3A_151 = vector.broadcast %and3A_150 : i32 to vector<16xi32>
      %and3A_152 = arith.andi %get3A_90, %and3A_151 : vector<16xi32>
      %or3A_153 = arith.ori %mul3A_23, %and3A_152 : vector<16xi32>
      %and3A_154 = arith.constant 2047 : i32
      %and3A_155 = vector.broadcast %and3A_154 : i32 to vector<16xi32>
      %and3A_156 = arith.andi %shift_right_logical3A_125, %and3A_155 : vector<16xi32>
      %or3A_157 = arith.ori %mul3A_23, %and3A_156 : vector<16xi32>
      %and3A_158 = arith.constant 2047 : i32
      %and3A_159 = vector.broadcast %and3A_158 : i32 to vector<16xi32>
      %and3A_160 = arith.andi %get3A_95, %and3A_159 : vector<16xi32>
      %or3A_161 = arith.ori %mul3A_23, %and3A_160 : vector<16xi32>
      %and3A_162 = arith.constant 2047 : i32
      %and3A_163 = vector.broadcast %and3A_162 : i32 to vector<16xi32>
      %and3A_164 = arith.andi %shift_right_logical3A_128, %and3A_163 : vector<16xi32>
      %or3A_165 = arith.ori %mul3A_23, %and3A_164 : vector<16xi32>
      %and3A_166 = arith.constant 2047 : i32
      %and3A_167 = vector.broadcast %and3A_166 : i32 to vector<16xi32>
      %and3A_168 = arith.andi %get3A_100, %and3A_167 : vector<16xi32>
      %or3A_169 = arith.ori %mul3A_23, %and3A_168 : vector<16xi32>
      %and3A_170 = arith.constant 2047 : i32
      %and3A_171 = vector.broadcast %and3A_170 : i32 to vector<16xi32>
      %and3A_172 = arith.andi %shift_right_logical3A_131, %and3A_171 : vector<16xi32>
      %or3A_173 = arith.ori %mul3A_23, %and3A_172 : vector<16xi32>
      %and3A_174 = arith.constant 2047 : i32
      %and3A_175 = vector.broadcast %and3A_174 : i32 to vector<16xi32>
      %and3A_176 = arith.andi %get3A_105, %and3A_175 : vector<16xi32>
      %or3A_177 = arith.ori %mul3A_23, %and3A_176 : vector<16xi32>
      %and3A_178 = arith.constant 2047 : i32
      %and3A_179 = vector.broadcast %and3A_178 : i32 to vector<16xi32>
      %and3A_180 = arith.andi %shift_right_logical3A_134, %and3A_179 : vector<16xi32>
      %or3A_181 = arith.ori %mul3A_23, %and3A_180 : vector<16xi32>
      %and3A_182 = arith.constant 2047 : i32
      %and3A_183 = vector.broadcast %and3A_182 : i32 to vector<16xi32>
      %and3A_184 = arith.andi %get3A_110, %and3A_183 : vector<16xi32>
      %or3A_185 = arith.ori %mul3A_23, %and3A_184 : vector<16xi32>
      %and3A_186 = arith.constant 2047 : i32
      %and3A_187 = vector.broadcast %and3A_186 : i32 to vector<16xi32>
      %and3A_188 = arith.andi %shift_right_logical3A_137, %and3A_187 : vector<16xi32>
      %or3A_189 = arith.ori %mul3A_23, %and3A_188 : vector<16xi32>
      %and3A_190 = arith.constant 2047 : i32
      %and3A_191 = vector.broadcast %and3A_190 : i32 to vector<16xi32>
      %and3A_192 = arith.andi %get3A_115, %and3A_191 : vector<16xi32>
      %or3A_193 = arith.ori %mul3A_23, %and3A_192 : vector<16xi32>
      %and3A_194 = arith.constant 2047 : i32
      %and3A_195 = vector.broadcast %and3A_194 : i32 to vector<16xi32>
      %and3A_196 = arith.andi %shift_right_logical3A_140, %and3A_195 : vector<16xi32>
      %or3A_197 = arith.ori %mul3A_23, %and3A_196 : vector<16xi32>
      %and3A_198 = arith.constant 2047 : i32
      %and3A_199 = vector.broadcast %and3A_198 : i32 to vector<16xi32>
      %and3A_200 = arith.andi %get3A_120, %and3A_199 : vector<16xi32>
      %or3A_201 = arith.ori %mul3A_23, %and3A_200 : vector<16xi32>
      %and3A_202 = arith.constant 2047 : i32
      %and3A_203 = vector.broadcast %and3A_202 : i32 to vector<16xi32>
      %and3A_204 = arith.andi %shift_right_logical3A_143, %and3A_203 : vector<16xi32>
      %or3A_205 = arith.ori %mul3A_23, %and3A_204 : vector<16xi32>
      %and3A_206 = arith.constant 2048 : i32
      %and3A_207 = vector.broadcast %and3A_206 : i32 to vector<16xi32>
      %and3A_208 = arith.andi %get3A_85, %and3A_207 : vector<16xi32>
      %shift_left3A = arith.constant 5 : i32
      %shift_left3A_209 = vector.broadcast %shift_left3A : i32 to vector<16xi32>
      %shift_left3A_210 = arith.shli %and3A_208, %shift_left3A_209 : vector<16xi32>
      %or3A_211 = arith.constant 1 : i32
      %or3A_212 = vector.broadcast %or3A_211 : i32 to vector<16xi32>
      %or3A_213 = arith.ori %shift_left3A_210, %or3A_212 : vector<16xi32>
      %and3A_214 = arith.constant 2048 : i32
      %and3A_215 = vector.broadcast %and3A_214 : i32 to vector<16xi32>
      %and3A_216 = arith.andi %shift_right_logical3A_122, %and3A_215 : vector<16xi32>
      %shift_left3A_217 = arith.constant 5 : i32
      %shift_left3A_218 = vector.broadcast %shift_left3A_217 : i32 to vector<16xi32>
      %shift_left3A_219 = arith.shli %and3A_216, %shift_left3A_218 : vector<16xi32>
      %or3A_220 = arith.constant 1 : i32
      %or3A_221 = vector.broadcast %or3A_220 : i32 to vector<16xi32>
      %or3A_222 = arith.ori %shift_left3A_219, %or3A_221 : vector<16xi32>
      %and3A_223 = arith.constant 2048 : i32
      %and3A_224 = vector.broadcast %and3A_223 : i32 to vector<16xi32>
      %and3A_225 = arith.andi %get3A_90, %and3A_224 : vector<16xi32>
      %shift_left3A_226 = arith.constant 5 : i32
      %shift_left3A_227 = vector.broadcast %shift_left3A_226 : i32 to vector<16xi32>
      %shift_left3A_228 = arith.shli %and3A_225, %shift_left3A_227 : vector<16xi32>
      %or3A_229 = arith.constant 1 : i32
      %or3A_230 = vector.broadcast %or3A_229 : i32 to vector<16xi32>
      %or3A_231 = arith.ori %shift_left3A_228, %or3A_230 : vector<16xi32>
      %and3A_232 = arith.constant 2048 : i32
      %and3A_233 = vector.broadcast %and3A_232 : i32 to vector<16xi32>
      %and3A_234 = arith.andi %shift_right_logical3A_125, %and3A_233 : vector<16xi32>
      %shift_left3A_235 = arith.constant 5 : i32
      %shift_left3A_236 = vector.broadcast %shift_left3A_235 : i32 to vector<16xi32>
      %shift_left3A_237 = arith.shli %and3A_234, %shift_left3A_236 : vector<16xi32>
      %or3A_238 = arith.constant 1 : i32
      %or3A_239 = vector.broadcast %or3A_238 : i32 to vector<16xi32>
      %or3A_240 = arith.ori %shift_left3A_237, %or3A_239 : vector<16xi32>
      %and3A_241 = arith.constant 2048 : i32
      %and3A_242 = vector.broadcast %and3A_241 : i32 to vector<16xi32>
      %and3A_243 = arith.andi %get3A_95, %and3A_242 : vector<16xi32>
      %shift_left3A_244 = arith.constant 5 : i32
      %shift_left3A_245 = vector.broadcast %shift_left3A_244 : i32 to vector<16xi32>
      %shift_left3A_246 = arith.shli %and3A_243, %shift_left3A_245 : vector<16xi32>
      %or3A_247 = arith.constant 1 : i32
      %or3A_248 = vector.broadcast %or3A_247 : i32 to vector<16xi32>
      %or3A_249 = arith.ori %shift_left3A_246, %or3A_248 : vector<16xi32>
      %and3A_250 = arith.constant 2048 : i32
      %and3A_251 = vector.broadcast %and3A_250 : i32 to vector<16xi32>
      %and3A_252 = arith.andi %shift_right_logical3A_128, %and3A_251 : vector<16xi32>
      %shift_left3A_253 = arith.constant 5 : i32
      %shift_left3A_254 = vector.broadcast %shift_left3A_253 : i32 to vector<16xi32>
      %shift_left3A_255 = arith.shli %and3A_252, %shift_left3A_254 : vector<16xi32>
      %or3A_256 = arith.constant 1 : i32
      %or3A_257 = vector.broadcast %or3A_256 : i32 to vector<16xi32>
      %or3A_258 = arith.ori %shift_left3A_255, %or3A_257 : vector<16xi32>
      %and3A_259 = arith.constant 2048 : i32
      %and3A_260 = vector.broadcast %and3A_259 : i32 to vector<16xi32>
      %and3A_261 = arith.andi %get3A_100, %and3A_260 : vector<16xi32>
      %shift_left3A_262 = arith.constant 5 : i32
      %shift_left3A_263 = vector.broadcast %shift_left3A_262 : i32 to vector<16xi32>
      %shift_left3A_264 = arith.shli %and3A_261, %shift_left3A_263 : vector<16xi32>
      %or3A_265 = arith.constant 1 : i32
      %or3A_266 = vector.broadcast %or3A_265 : i32 to vector<16xi32>
      %or3A_267 = arith.ori %shift_left3A_264, %or3A_266 : vector<16xi32>
      %and3A_268 = arith.constant 2048 : i32
      %and3A_269 = vector.broadcast %and3A_268 : i32 to vector<16xi32>
      %and3A_270 = arith.andi %shift_right_logical3A_131, %and3A_269 : vector<16xi32>
      %shift_left3A_271 = arith.constant 5 : i32
      %shift_left3A_272 = vector.broadcast %shift_left3A_271 : i32 to vector<16xi32>
      %shift_left3A_273 = arith.shli %and3A_270, %shift_left3A_272 : vector<16xi32>
      %or3A_274 = arith.constant 1 : i32
      %or3A_275 = vector.broadcast %or3A_274 : i32 to vector<16xi32>
      %or3A_276 = arith.ori %shift_left3A_273, %or3A_275 : vector<16xi32>
      %and3A_277 = arith.constant 2048 : i32
      %and3A_278 = vector.broadcast %and3A_277 : i32 to vector<16xi32>
      %and3A_279 = arith.andi %get3A_105, %and3A_278 : vector<16xi32>
      %shift_left3A_280 = arith.constant 5 : i32
      %shift_left3A_281 = vector.broadcast %shift_left3A_280 : i32 to vector<16xi32>
      %shift_left3A_282 = arith.shli %and3A_279, %shift_left3A_281 : vector<16xi32>
      %or3A_283 = arith.constant 1 : i32
      %or3A_284 = vector.broadcast %or3A_283 : i32 to vector<16xi32>
      %or3A_285 = arith.ori %shift_left3A_282, %or3A_284 : vector<16xi32>
      %and3A_286 = arith.constant 2048 : i32
      %and3A_287 = vector.broadcast %and3A_286 : i32 to vector<16xi32>
      %and3A_288 = arith.andi %shift_right_logical3A_134, %and3A_287 : vector<16xi32>
      %shift_left3A_289 = arith.constant 5 : i32
      %shift_left3A_290 = vector.broadcast %shift_left3A_289 : i32 to vector<16xi32>
      %shift_left3A_291 = arith.shli %and3A_288, %shift_left3A_290 : vector<16xi32>
      %or3A_292 = arith.constant 1 : i32
      %or3A_293 = vector.broadcast %or3A_292 : i32 to vector<16xi32>
      %or3A_294 = arith.ori %shift_left3A_291, %or3A_293 : vector<16xi32>
      %and3A_295 = arith.constant 2048 : i32
      %and3A_296 = vector.broadcast %and3A_295 : i32 to vector<16xi32>
      %and3A_297 = arith.andi %get3A_110, %and3A_296 : vector<16xi32>
      %shift_left3A_298 = arith.constant 5 : i32
      %shift_left3A_299 = vector.broadcast %shift_left3A_298 : i32 to vector<16xi32>
      %shift_left3A_300 = arith.shli %and3A_297, %shift_left3A_299 : vector<16xi32>
      %or3A_301 = arith.constant 1 : i32
      %or3A_302 = vector.broadcast %or3A_301 : i32 to vector<16xi32>
      %or3A_303 = arith.ori %shift_left3A_300, %or3A_302 : vector<16xi32>
      %and3A_304 = arith.constant 2048 : i32
      %and3A_305 = vector.broadcast %and3A_304 : i32 to vector<16xi32>
      %and3A_306 = arith.andi %shift_right_logical3A_137, %and3A_305 : vector<16xi32>
      %shift_left3A_307 = arith.constant 5 : i32
      %shift_left3A_308 = vector.broadcast %shift_left3A_307 : i32 to vector<16xi32>
      %shift_left3A_309 = arith.shli %and3A_306, %shift_left3A_308 : vector<16xi32>
      %or3A_310 = arith.constant 1 : i32
      %or3A_311 = vector.broadcast %or3A_310 : i32 to vector<16xi32>
      %or3A_312 = arith.ori %shift_left3A_309, %or3A_311 : vector<16xi32>
      %and3A_313 = arith.constant 2048 : i32
      %and3A_314 = vector.broadcast %and3A_313 : i32 to vector<16xi32>
      %and3A_315 = arith.andi %get3A_115, %and3A_314 : vector<16xi32>
      %shift_left3A_316 = arith.constant 5 : i32
      %shift_left3A_317 = vector.broadcast %shift_left3A_316 : i32 to vector<16xi32>
      %shift_left3A_318 = arith.shli %and3A_315, %shift_left3A_317 : vector<16xi32>
      %or3A_319 = arith.constant 1 : i32
      %or3A_320 = vector.broadcast %or3A_319 : i32 to vector<16xi32>
      %or3A_321 = arith.ori %shift_left3A_318, %or3A_320 : vector<16xi32>
      %and3A_322 = arith.constant 2048 : i32
      %and3A_323 = vector.broadcast %and3A_322 : i32 to vector<16xi32>
      %and3A_324 = arith.andi %shift_right_logical3A_140, %and3A_323 : vector<16xi32>
      %shift_left3A_325 = arith.constant 5 : i32
      %shift_left3A_326 = vector.broadcast %shift_left3A_325 : i32 to vector<16xi32>
      %shift_left3A_327 = arith.shli %and3A_324, %shift_left3A_326 : vector<16xi32>
      %or3A_328 = arith.constant 1 : i32
      %or3A_329 = vector.broadcast %or3A_328 : i32 to vector<16xi32>
      %or3A_330 = arith.ori %shift_left3A_327, %or3A_329 : vector<16xi32>
      %and3A_331 = arith.constant 2048 : i32
      %and3A_332 = vector.broadcast %and3A_331 : i32 to vector<16xi32>
      %and3A_333 = arith.andi %get3A_120, %and3A_332 : vector<16xi32>
      %shift_left3A_334 = arith.constant 5 : i32
      %shift_left3A_335 = vector.broadcast %shift_left3A_334 : i32 to vector<16xi32>
      %shift_left3A_336 = arith.shli %and3A_333, %shift_left3A_335 : vector<16xi32>
      %or3A_337 = arith.constant 1 : i32
      %or3A_338 = vector.broadcast %or3A_337 : i32 to vector<16xi32>
      %or3A_339 = arith.ori %shift_left3A_336, %or3A_338 : vector<16xi32>
      %and3A_340 = arith.constant 2048 : i32
      %and3A_341 = vector.broadcast %and3A_340 : i32 to vector<16xi32>
      %and3A_342 = arith.andi %shift_right_logical3A_143, %and3A_341 : vector<16xi32>
      %shift_left3A_343 = arith.constant 5 : i32
      %shift_left3A_344 = vector.broadcast %shift_left3A_343 : i32 to vector<16xi32>
      %shift_left3A_345 = arith.shli %and3A_342, %shift_left3A_344 : vector<16xi32>
      %or3A_346 = arith.constant 1 : i32
      %or3A_347 = vector.broadcast %or3A_346 : i32 to vector<16xi32>
      %or3A_348 = arith.ori %shift_left3A_345, %or3A_347 : vector<16xi32>
      tpu.vector_store_idx %arg4[%or3A], %or3A_213 {add = true} : memref<32768xi32, #tpu.memory_space<vmem>>[vector<16xi32>], vector<16xi32>,
      tpu.vector_store_idx %arg4[%or3A_149], %or3A_222 {add = true} : memref<32768xi32, #tpu.memory_space<vmem>>[vector<16xi32>], vector<16xi32>,
      tpu.vector_store_idx %arg4[%or3A_153], %or3A_231 {add = true} : memref<32768xi32, #tpu.memory_space<vmem>>[vector<16xi32>], vector<16xi32>,
      tpu.vector_store_idx %arg4[%or3A_157], %or3A_240 {add = true} : memref<32768xi32, #tpu.memory_space<vmem>>[vector<16xi32>], vector<16xi32>,
      tpu.vector_store_idx %arg4[%or3A_161], %or3A_249 {add = true} : memref<32768xi32, #tpu.memory_space<vmem>>[vector<16xi32>], vector<16xi32>,
      tpu.vector_store_idx %arg4[%or3A_165], %or3A_258 {add = true} : memref<32768xi32, #tpu.memory_space<vmem>>[vector<16xi32>], vector<16xi32>,
      tpu.vector_store_idx %arg4[%or3A_169], %or3A_267 {add = true} : memref<32768xi32, #tpu.memory_space<vmem>>[vector<16xi32>], vector<16xi32>,
      tpu.vector_store_idx %arg4[%or3A_173], %or3A_276 {add = true} : memref<32768xi32, #tpu.memory_space<vmem>>[vector<16xi32>], vector<16xi32>,
      tpu.vector_store_idx %arg4[%or3A_177], %or3A_285 {add = true} : memref<32768xi32, #tpu.memory_space<vmem>>[vector<16xi32>], vector<16xi32>,
      tpu.vector_store_idx %arg4[%or3A_181], %or3A_294 {add = true} : memref<32768xi32, #tpu.memory_space<vmem>>[vector<16xi32>], vector<16xi32>,
      tpu.vector_store_idx %arg4[%or3A_185], %or3A_303 {add = true} : memref<32768xi32, #tpu.memory_space<vmem>>[vector<16xi32>], vector<16xi32>,
      tpu.vector_store_idx %arg4[%or3A_189], %or3A_312 {add = true} : memref<32768xi32, #tpu.memory_space<vmem>>[vector<16xi32>], vector<16xi32>,
      tpu.vector_store_idx %arg4[%or3A_193], %or3A_321 {add = true} : memref<32768xi32, #tpu.memory_space<vmem>>[vector<16xi32>], vector<16xi32>,
      tpu.vector_store_idx %arg4[%or3A_197], %or3A_330 {add = true} : memref<32768xi32, #tpu.memory_space<vmem>>[vector<16xi32>], vector<16xi32>,
      tpu.vector_store_idx %arg4[%or3A_201], %or3A_339 {add = true} : memref<32768xi32, #tpu.memory_space<vmem>>[vector<16xi32>], vector<16xi32>,
      tpu.vector_store_idx %arg4[%or3A_205], %or3A_348 {add = true} : memref<32768xi32, #tpu.memory_space<vmem>>[vector<16xi32>], vector<16xi32>,
    }
    %scan3A_55 = arith.constant 128 : i32
    %dma_wait3A_56 = arith.constant 1 : i32
    %dma_wait3A_57 = arith.constant 0 : i32
    %dma_wait3A_58 = arith.constant 0 : i32
    %dma_wait3A_59 = tpu.memref_slice %arg6[%dma_wait3A_56, %dma_wait3A_57, %dma_wait3A_58] : memref<2x128x128xi32, #tpu.memory_space<vmem>> -> memref<1x128x128xi32, #tpu.memory_space<vmem>>
    %dma_wait3A_60 = tpu.memref_squeeze %dma_wait3A_59 : memref<1x128x128xi32, #tpu.memory_space<vmem>> -> memref<128x128xi32, #tpu.memory_space<vmem>>
    %dma_wait3A_61 = arith.constant 0 : i32
    %dma_wait3A_62 = tpu.memref_slice %arg2[%add3A_37, %dma_wait3A_61] : memref<8192x128xi32, #tpu.memory_space<hbm>> -> memref<128x128xi32, #tpu.memory_space<hbm>>
    %dma_wait3A_63 = arith.constant 0 : i32
    %dma_wait3A_64 = arith.constant 0 : i32
    %dma_wait3A_65 = tpu.memref_slice %arg6[%dma_wait3A_56, %dma_wait3A_63, %dma_wait3A_64] : memref<2x128x128xi32, #tpu.memory_space<vmem>> -> memref<1x128x128xi32, #tpu.memory_space<vmem>>
    %dma_wait3A_66 = tpu.memref_squeeze %dma_wait3A_65 : memref<1x128x128xi32, #tpu.memory_space<vmem>> -> memref<128x128xi32, #tpu.memory_space<vmem>>
    %dma_wait3A_67 = arith.constant 0 : i32
    %dma_wait3A_68 = tpu.memref_slice %arg2[%add3A_37, %dma_wait3A_67] : memref<8192x128xi32, #tpu.memory_space<hbm>> -> memref<128x128xi32, #tpu.memory_space<hbm>>
    tpu.wait_dma2 semaphore(%arg7 : memref<!tpu.dma_semaphore, #tpu.memory_space<semaphore_mem>>) src(%dma_wait3A_68 : memref<128x128xi32, #tpu.memory_space<hbm>>) dst(%dma_wait3A_66 : memref<128x128xi32, #tpu.memory_space<vmem>>)
    %scan3A_69 = arith.constant 0 : i32
    %scan3A_70 = arith.constant 128 : i32
    %scan3A_71 = arith.addi %scan3A_69, %scan3A_70 : i32
    %scan3A_72 = arith.constant 1 : i32
    scf.for %scan3A_81 = %scan3A_69 to %scan3A_71 step %scan3A_72  : i32 {
      %get3A = arith.constant 1 : i32
      %get3A_82 = arith.index_cast %get3A : i32 to index
      %get3A_83 = arith.index_cast %scan3A_81 : i32 to index
      %get3A_84 = arith.constant 0 : index
      %get3A_85 = tpu.vector_load %arg6[%get3A_82, %get3A_83, %get3A_84] {strides = array<i32>} : memref<2x128x128xi32, #tpu.memory_space<vmem>>, vector<16xi32>,
      %get3A_86 = arith.constant 1 : i32
      %get3A_87 = arith.index_cast %get3A_86 : i32 to index
      %get3A_88 = arith.index_cast %scan3A_81 : i32 to index
      %get3A_89 = arith.constant 16 : index
      %get3A_90 = tpu.vector_load %arg6[%get3A_87, %get3A_88, %get3A_89] {strides = array<i32>} : memref<2x128x128xi32, #tpu.memory_space<vmem>>, vector<16xi32>,
      %get3A_91 = arith.constant 1 : i32
      %get3A_92 = arith.index_cast %get3A_91 : i32 to index
      %get3A_93 = arith.index_cast %scan3A_81 : i32 to index
      %get3A_94 = arith.constant 32 : index
      %get3A_95 = tpu.vector_load %arg6[%get3A_92, %get3A_93, %get3A_94] {strides = array<i32>} : memref<2x128x128xi32, #tpu.memory_space<vmem>>, vector<16xi32>,
      %get3A_96 = arith.constant 1 : i32
      %get3A_97 = arith.index_cast %get3A_96 : i32 to index
      %get3A_98 = arith.index_cast %scan3A_81 : i32 to index
      %get3A_99 = arith.constant 48 : index
      %get3A_100 = tpu.vector_load %arg6[%get3A_97, %get3A_98, %get3A_99] {strides = array<i32>} : memref<2x128x128xi32, #tpu.memory_space<vmem>>, vector<16xi32>,
      %get3A_101 = arith.constant 1 : i32
      %get3A_102 = arith.index_cast %get3A_101 : i32 to index
      %get3A_103 = arith.index_cast %scan3A_81 : i32 to index
      %get3A_104 = arith.constant 64 : index
      %get3A_105 = tpu.vector_load %arg6[%get3A_102, %get3A_103, %get3A_104] {strides = array<i32>} : memref<2x128x128xi32, #tpu.memory_space<vmem>>, vector<16xi32>,
      %get3A_106 = arith.constant 1 : i32
      %get3A_107 = arith.index_cast %get3A_106 : i32 to index
      %get3A_108 = arith.index_cast %scan3A_81 : i32 to index
      %get3A_109 = arith.constant 80 : index
      %get3A_110 = tpu.vector_load %arg6[%get3A_107, %get3A_108, %get3A_109] {strides = array<i32>} : memref<2x128x128xi32, #tpu.memory_space<vmem>>, vector<16xi32>,
      %get3A_111 = arith.constant 1 : i32
      %get3A_112 = arith.index_cast %get3A_111 : i32 to index
      %get3A_113 = arith.index_cast %scan3A_81 : i32 to index
      %get3A_114 = arith.constant 96 : index
      %get3A_115 = tpu.vector_load %arg6[%get3A_112, %get3A_113, %get3A_114] {strides = array<i32>} : memref<2x128x128xi32, #tpu.memory_space<vmem>>, vector<16xi32>,
      %get3A_116 = arith.constant 1 : i32
      %get3A_117 = arith.index_cast %get3A_116 : i32 to index
      %get3A_118 = arith.index_cast %scan3A_81 : i32 to index
      %get3A_119 = arith.constant 112 : index
      %get3A_120 = tpu.vector_load %arg6[%get3A_117, %get3A_118, %get3A_119] {strides = array<i32>} : memref<2x128x128xi32, #tpu.memory_space<vmem>>, vector<16xi32>,
      %shift_right_logical3A = arith.constant 16 : i32
      %shift_right_logical3A_121 = vector.broadcast %shift_right_logical3A : i32 to vector<16xi32>
      %shift_right_logical3A_122 = arith.shrui %get3A_85, %shift_right_logical3A_121 : vector<16xi32>
      %shift_right_logical3A_123 = arith.constant 16 : i32
      %shift_right_logical3A_124 = vector.broadcast %shift_right_logical3A_123 : i32 to vector<16xi32>
      %shift_right_logical3A_125 = arith.shrui %get3A_90, %shift_right_logical3A_124 : vector<16xi32>
      %shift_right_logical3A_126 = arith.constant 16 : i32
      %shift_right_logical3A_127 = vector.broadcast %shift_right_logical3A_126 : i32 to vector<16xi32>
      %shift_right_logical3A_128 = arith.shrui %get3A_95, %shift_right_logical3A_127 : vector<16xi32>
      %shift_right_logical3A_129 = arith.constant 16 : i32
      %shift_right_logical3A_130 = vector.broadcast %shift_right_logical3A_129 : i32 to vector<16xi32>
      %shift_right_logical3A_131 = arith.shrui %get3A_100, %shift_right_logical3A_130 : vector<16xi32>
      %shift_right_logical3A_132 = arith.constant 16 : i32
      %shift_right_logical3A_133 = vector.broadcast %shift_right_logical3A_132 : i32 to vector<16xi32>
      %shift_right_logical3A_134 = arith.shrui %get3A_105, %shift_right_logical3A_133 : vector<16xi32>
      %shift_right_logical3A_135 = arith.constant 16 : i32
      %shift_right_logical3A_136 = vector.broadcast %shift_right_logical3A_135 : i32 to vector<16xi32>
      %shift_right_logical3A_137 = arith.shrui %get3A_110, %shift_right_logical3A_136 : vector<16xi32>
      %shift_right_logical3A_138 = arith.constant 16 : i32
      %shift_right_logical3A_139 = vector.broadcast %shift_right_logical3A_138 : i32 to vector<16xi32>
      %shift_right_logical3A_140 = arith.shrui %get3A_115, %shift_right_logical3A_139 : vector<16xi32>
      %shift_right_logical3A_141 = arith.constant 16 : i32
      %shift_right_logical3A_142 = vector.broadcast %shift_right_logical3A_141 : i32 to vector<16xi32>
      %shift_right_logical3A_143 = arith.shrui %get3A_120, %shift_right_logical3A_142 : vector<16xi32>
      %and3A = arith.constant 2047 : i32
      %and3A_144 = vector.broadcast %and3A : i32 to vector<16xi32>
      %and3A_145 = arith.andi %get3A_85, %and3A_144 : vector<16xi32>
      %or3A = arith.ori %mul3A_23, %and3A_145 : vector<16xi32>
      %and3A_146 = arith.constant 2047 : i32
      %and3A_147 = vector.broadcast %and3A_146 : i32 to vector<16xi32>
      %and3A_148 = arith.andi %shift_right_logical3A_122, %and3A_147 : vector<16xi32>
      %or3A_149 = arith.ori %mul3A_23, %and3A_148 : vector<16xi32>
      %and3A_150 = arith.constant 2047 : i32
      %and3A_151 = vector.broadcast %and3A_150 : i32 to vector<16xi32>
      %and3A_152 = arith.andi %get3A_90, %and3A_151 : vector<16xi32>
      %or3A_153 = arith.ori %mul3A_23, %and3A_152 : vector<16xi32>
      %and3A_154 = arith.constant 2047 : i32
      %and3A_155 = vector.broadcast %and3A_154 : i32 to vector<16xi32>
      %and3A_156 = arith.andi %shift_right_logical3A_125, %and3A_155 : vector<16xi32>
      %or3A_157 = arith.ori %mul3A_23, %and3A_156 : vector<16xi32>
      %and3A_158 = arith.constant 2047 : i32
      %and3A_159 = vector.broadcast %and3A_158 : i32 to vector<16xi32>
      %and3A_160 = arith.andi %get3A_95, %and3A_159 : vector<16xi32>
      %or3A_161 = arith.ori %mul3A_23, %and3A_160 : vector<16xi32>
      %and3A_162 = arith.constant 2047 : i32
      %and3A_163 = vector.broadcast %and3A_162 : i32 to vector<16xi32>
      %and3A_164 = arith.andi %shift_right_logical3A_128, %and3A_163 : vector<16xi32>
      %or3A_165 = arith.ori %mul3A_23, %and3A_164 : vector<16xi32>
      %and3A_166 = arith.constant 2047 : i32
      %and3A_167 = vector.broadcast %and3A_166 : i32 to vector<16xi32>
      %and3A_168 = arith.andi %get3A_100, %and3A_167 : vector<16xi32>
      %or3A_169 = arith.ori %mul3A_23, %and3A_168 : vector<16xi32>
      %and3A_170 = arith.constant 2047 : i32
      %and3A_171 = vector.broadcast %and3A_170 : i32 to vector<16xi32>
      %and3A_172 = arith.andi %shift_right_logical3A_131, %and3A_171 : vector<16xi32>
      %or3A_173 = arith.ori %mul3A_23, %and3A_172 : vector<16xi32>
      %and3A_174 = arith.constant 2047 : i32
      %and3A_175 = vector.broadcast %and3A_174 : i32 to vector<16xi32>
      %and3A_176 = arith.andi %get3A_105, %and3A_175 : vector<16xi32>
      %or3A_177 = arith.ori %mul3A_23, %and3A_176 : vector<16xi32>
      %and3A_178 = arith.constant 2047 : i32
      %and3A_179 = vector.broadcast %and3A_178 : i32 to vector<16xi32>
      %and3A_180 = arith.andi %shift_right_logical3A_134, %and3A_179 : vector<16xi32>
      %or3A_181 = arith.ori %mul3A_23, %and3A_180 : vector<16xi32>
      %and3A_182 = arith.constant 2047 : i32
      %and3A_183 = vector.broadcast %and3A_182 : i32 to vector<16xi32>
      %and3A_184 = arith.andi %get3A_110, %and3A_183 : vector<16xi32>
      %or3A_185 = arith.ori %mul3A_23, %and3A_184 : vector<16xi32>
      %and3A_186 = arith.constant 2047 : i32
      %and3A_187 = vector.broadcast %and3A_186 : i32 to vector<16xi32>
      %and3A_188 = arith.andi %shift_right_logical3A_137, %and3A_187 : vector<16xi32>
      %or3A_189 = arith.ori %mul3A_23, %and3A_188 : vector<16xi32>
      %and3A_190 = arith.constant 2047 : i32
      %and3A_191 = vector.broadcast %and3A_190 : i32 to vector<16xi32>
      %and3A_192 = arith.andi %get3A_115, %and3A_191 : vector<16xi32>
      %or3A_193 = arith.ori %mul3A_23, %and3A_192 : vector<16xi32>
      %and3A_194 = arith.constant 2047 : i32
      %and3A_195 = vector.broadcast %and3A_194 : i32 to vector<16xi32>
      %and3A_196 = arith.andi %shift_right_logical3A_140, %and3A_195 : vector<16xi32>
      %or3A_197 = arith.ori %mul3A_23, %and3A_196 : vector<16xi32>
      %and3A_198 = arith.constant 2047 : i32
      %and3A_199 = vector.broadcast %and3A_198 : i32 to vector<16xi32>
      %and3A_200 = arith.andi %get3A_120, %and3A_199 : vector<16xi32>
      %or3A_201 = arith.ori %mul3A_23, %and3A_200 : vector<16xi32>
      %and3A_202 = arith.constant 2047 : i32
      %and3A_203 = vector.broadcast %and3A_202 : i32 to vector<16xi32>
      %and3A_204 = arith.andi %shift_right_logical3A_143, %and3A_203 : vector<16xi32>
      %or3A_205 = arith.ori %mul3A_23, %and3A_204 : vector<16xi32>
      %and3A_206 = arith.constant 2048 : i32
      %and3A_207 = vector.broadcast %and3A_206 : i32 to vector<16xi32>
      %and3A_208 = arith.andi %get3A_85, %and3A_207 : vector<16xi32>
      %shift_left3A = arith.constant 5 : i32
      %shift_left3A_209 = vector.broadcast %shift_left3A : i32 to vector<16xi32>
      %shift_left3A_210 = arith.shli %and3A_208, %shift_left3A_209 : vector<16xi32>
      %or3A_211 = arith.constant 1 : i32
      %or3A_212 = vector.broadcast %or3A_211 : i32 to vector<16xi32>
      %or3A_213 = arith.ori %shift_left3A_210, %or3A_212 : vector<16xi32>
      %and3A_214 = arith.constant 2048 : i32
      %and3A_215 = vector.broadcast %and3A_214 : i32 to vector<16xi32>
      %and3A_216 = arith.andi %shift_right_logical3A_122, %and3A_215 : vector<16xi32>
      %shift_left3A_217 = arith.constant 5 : i32
      %shift_left3A_218 = vector.broadcast %shift_left3A_217 : i32 to vector<16xi32>
      %shift_left3A_219 = arith.shli %and3A_216, %shift_left3A_218 : vector<16xi32>
      %or3A_220 = arith.constant 1 : i32
      %or3A_221 = vector.broadcast %or3A_220 : i32 to vector<16xi32>
      %or3A_222 = arith.ori %shift_left3A_219, %or3A_221 : vector<16xi32>
      %and3A_223 = arith.constant 2048 : i32
      %and3A_224 = vector.broadcast %and3A_223 : i32 to vector<16xi32>
      %and3A_225 = arith.andi %get3A_90, %and3A_224 : vector<16xi32>
      %shift_left3A_226 = arith.constant 5 : i32
      %shift_left3A_227 = vector.broadcast %shift_left3A_226 : i32 to vector<16xi32>
      %shift_left3A_228 = arith.shli %and3A_225, %shift_left3A_227 : vector<16xi32>
      %or3A_229 = arith.constant 1 : i32
      %or3A_230 = vector.broadcast %or3A_229 : i32 to vector<16xi32>
      %or3A_231 = arith.ori %shift_left3A_228, %or3A_230 : vector<16xi32>
      %and3A_232 = arith.constant 2048 : i32
      %and3A_233 = vector.broadcast %and3A_232 : i32 to vector<16xi32>
      %and3A_234 = arith.andi %shift_right_logical3A_125, %and3A_233 : vector<16xi32>
      %shift_left3A_235 = arith.constant 5 : i32
      %shift_left3A_236 = vector.broadcast %shift_left3A_235 : i32 to vector<16xi32>
      %shift_left3A_237 = arith.shli %and3A_234, %shift_left3A_236 : vector<16xi32>
      %or3A_238 = arith.constant 1 : i32
      %or3A_239 = vector.broadcast %or3A_238 : i32 to vector<16xi32>
      %or3A_240 = arith.ori %shift_left3A_237, %or3A_239 : vector<16xi32>
      %and3A_241 = arith.constant 2048 : i32
      %and3A_242 = vector.broadcast %and3A_241 : i32 to vector<16xi32>
      %and3A_243 = arith.andi %get3A_95, %and3A_242 : vector<16xi32>
      %shift_left3A_244 = arith.constant 5 : i32
      %shift_left3A_245 = vector.broadcast %shift_left3A_244 : i32 to vector<16xi32>
      %shift_left3A_246 = arith.shli %and3A_243, %shift_left3A_245 : vector<16xi32>
      %or3A_247 = arith.constant 1 : i32
      %or3A_248 = vector.broadcast %or3A_247 : i32 to vector<16xi32>
      %or3A_249 = arith.ori %shift_left3A_246, %or3A_248 : vector<16xi32>
      %and3A_250 = arith.constant 2048 : i32
      %and3A_251 = vector.broadcast %and3A_250 : i32 to vector<16xi32>
      %and3A_252 = arith.andi %shift_right_logical3A_128, %and3A_251 : vector<16xi32>
      %shift_left3A_253 = arith.constant 5 : i32
      %shift_left3A_254 = vector.broadcast %shift_left3A_253 : i32 to vector<16xi32>
      %shift_left3A_255 = arith.shli %and3A_252, %shift_left3A_254 : vector<16xi32>
      %or3A_256 = arith.constant 1 : i32
      %or3A_257 = vector.broadcast %or3A_256 : i32 to vector<16xi32>
      %or3A_258 = arith.ori %shift_left3A_255, %or3A_257 : vector<16xi32>
      %and3A_259 = arith.constant 2048 : i32
      %and3A_260 = vector.broadcast %and3A_259 : i32 to vector<16xi32>
      %and3A_261 = arith.andi %get3A_100, %and3A_260 : vector<16xi32>
      %shift_left3A_262 = arith.constant 5 : i32
      %shift_left3A_263 = vector.broadcast %shift_left3A_262 : i32 to vector<16xi32>
      %shift_left3A_264 = arith.shli %and3A_261, %shift_left3A_263 : vector<16xi32>
      %or3A_265 = arith.constant 1 : i32
      %or3A_266 = vector.broadcast %or3A_265 : i32 to vector<16xi32>
      %or3A_267 = arith.ori %shift_left3A_264, %or3A_266 : vector<16xi32>
      %and3A_268 = arith.constant 2048 : i32
      %and3A_269 = vector.broadcast %and3A_268 : i32 to vector<16xi32>
      %and3A_270 = arith.andi %shift_right_logical3A_131, %and3A_269 : vector<16xi32>
      %shift_left3A_271 = arith.constant 5 : i32
      %shift_left3A_272 = vector.broadcast %shift_left3A_271 : i32 to vector<16xi32>
      %shift_left3A_273 = arith.shli %and3A_270, %shift_left3A_272 : vector<16xi32>
      %or3A_274 = arith.constant 1 : i32
      %or3A_275 = vector.broadcast %or3A_274 : i32 to vector<16xi32>
      %or3A_276 = arith.ori %shift_left3A_273, %or3A_275 : vector<16xi32>
      %and3A_277 = arith.constant 2048 : i32
      %and3A_278 = vector.broadcast %and3A_277 : i32 to vector<16xi32>
      %and3A_279 = arith.andi %get3A_105, %and3A_278 : vector<16xi32>
      %shift_left3A_280 = arith.constant 5 : i32
      %shift_left3A_281 = vector.broadcast %shift_left3A_280 : i32 to vector<16xi32>
      %shift_left3A_282 = arith.shli %and3A_279, %shift_left3A_281 : vector<16xi32>
      %or3A_283 = arith.constant 1 : i32
      %or3A_284 = vector.broadcast %or3A_283 : i32 to vector<16xi32>
      %or3A_285 = arith.ori %shift_left3A_282, %or3A_284 : vector<16xi32>
      %and3A_286 = arith.constant 2048 : i32
      %and3A_287 = vector.broadcast %and3A_286 : i32 to vector<16xi32>
      %and3A_288 = arith.andi %shift_right_logical3A_134, %and3A_287 : vector<16xi32>
      %shift_left3A_289 = arith.constant 5 : i32
      %shift_left3A_290 = vector.broadcast %shift_left3A_289 : i32 to vector<16xi32>
      %shift_left3A_291 = arith.shli %and3A_288, %shift_left3A_290 : vector<16xi32>
      %or3A_292 = arith.constant 1 : i32
      %or3A_293 = vector.broadcast %or3A_292 : i32 to vector<16xi32>
      %or3A_294 = arith.ori %shift_left3A_291, %or3A_293 : vector<16xi32>
      %and3A_295 = arith.constant 2048 : i32
      %and3A_296 = vector.broadcast %and3A_295 : i32 to vector<16xi32>
      %and3A_297 = arith.andi %get3A_110, %and3A_296 : vector<16xi32>
      %shift_left3A_298 = arith.constant 5 : i32
      %shift_left3A_299 = vector.broadcast %shift_left3A_298 : i32 to vector<16xi32>
      %shift_left3A_300 = arith.shli %and3A_297, %shift_left3A_299 : vector<16xi32>
      %or3A_301 = arith.constant 1 : i32
      %or3A_302 = vector.broadcast %or3A_301 : i32 to vector<16xi32>
      %or3A_303 = arith.ori %shift_left3A_300, %or3A_302 : vector<16xi32>
      %and3A_304 = arith.constant 2048 : i32
      %and3A_305 = vector.broadcast %and3A_304 : i32 to vector<16xi32>
      %and3A_306 = arith.andi %shift_right_logical3A_137, %and3A_305 : vector<16xi32>
      %shift_left3A_307 = arith.constant 5 : i32
      %shift_left3A_308 = vector.broadcast %shift_left3A_307 : i32 to vector<16xi32>
      %shift_left3A_309 = arith.shli %and3A_306, %shift_left3A_308 : vector<16xi32>
      %or3A_310 = arith.constant 1 : i32
      %or3A_311 = vector.broadcast %or3A_310 : i32 to vector<16xi32>
      %or3A_312 = arith.ori %shift_left3A_309, %or3A_311 : vector<16xi32>
      %and3A_313 = arith.constant 2048 : i32
      %and3A_314 = vector.broadcast %and3A_313 : i32 to vector<16xi32>
      %and3A_315 = arith.andi %get3A_115, %and3A_314 : vector<16xi32>
      %shift_left3A_316 = arith.constant 5 : i32
      %shift_left3A_317 = vector.broadcast %shift_left3A_316 : i32 to vector<16xi32>
      %shift_left3A_318 = arith.shli %and3A_315, %shift_left3A_317 : vector<16xi32>
      %or3A_319 = arith.constant 1 : i32
      %or3A_320 = vector.broadcast %or3A_319 : i32 to vector<16xi32>
      %or3A_321 = arith.ori %shift_left3A_318, %or3A_320 : vector<16xi32>
      %and3A_322 = arith.constant 2048 : i32
      %and3A_323 = vector.broadcast %and3A_322 : i32 to vector<16xi32>
      %and3A_324 = arith.andi %shift_right_logical3A_140, %and3A_323 : vector<16xi32>
      %shift_left3A_325 = arith.constant 5 : i32
      %shift_left3A_326 = vector.broadcast %shift_left3A_325 : i32 to vector<16xi32>
      %shift_left3A_327 = arith.shli %and3A_324, %shift_left3A_326 : vector<16xi32>
      %or3A_328 = arith.constant 1 : i32
      %or3A_329 = vector.broadcast %or3A_328 : i32 to vector<16xi32>
      %or3A_330 = arith.ori %shift_left3A_327, %or3A_329 : vector<16xi32>
      %and3A_331 = arith.constant 2048 : i32
      %and3A_332 = vector.broadcast %and3A_331 : i32 to vector<16xi32>
      %and3A_333 = arith.andi %get3A_120, %and3A_332 : vector<16xi32>
      %shift_left3A_334 = arith.constant 5 : i32
      %shift_left3A_335 = vector.broadcast %shift_left3A_334 : i32 to vector<16xi32>
      %shift_left3A_336 = arith.shli %and3A_333, %shift_left3A_335 : vector<16xi32>
      %or3A_337 = arith.constant 1 : i32
      %or3A_338 = vector.broadcast %or3A_337 : i32 to vector<16xi32>
      %or3A_339 = arith.ori %shift_left3A_336, %or3A_338 : vector<16xi32>
      %and3A_340 = arith.constant 2048 : i32
      %and3A_341 = vector.broadcast %and3A_340 : i32 to vector<16xi32>
      %and3A_342 = arith.andi %shift_right_logical3A_143, %and3A_341 : vector<16xi32>
      %shift_left3A_343 = arith.constant 5 : i32
      %shift_left3A_344 = vector.broadcast %shift_left3A_343 : i32 to vector<16xi32>
      %shift_left3A_345 = arith.shli %and3A_342, %shift_left3A_344 : vector<16xi32>
      %or3A_346 = arith.constant 1 : i32
      %or3A_347 = vector.broadcast %or3A_346 : i32 to vector<16xi32>
      %or3A_348 = arith.ori %shift_left3A_345, %or3A_347 : vector<16xi32>
      tpu.vector_store_idx %arg4[%or3A], %or3A_213 {add = true} : memref<32768xi32, #tpu.memory_space<vmem>>[vector<16xi32>], vector<16xi32>,
      tpu.vector_store_idx %arg4[%or3A_149], %or3A_222 {add = true} : memref<32768xi32, #tpu.memory_space<vmem>>[vector<16xi32>], vector<16xi32>,
      tpu.vector_store_idx %arg4[%or3A_153], %or3A_231 {add = true} : memref<32768xi32, #tpu.memory_space<vmem>>[vector<16xi32>], vector<16xi32>,
      tpu.vector_store_idx %arg4[%or3A_157], %or3A_240 {add = true} : memref<32768xi32, #tpu.memory_space<vmem>>[vector<16xi32>], vector<16xi32>,
      tpu.vector_store_idx %arg4[%or3A_161], %or3A_249 {add = true} : memref<32768xi32, #tpu.memory_space<vmem>>[vector<16xi32>], vector<16xi32>,
      tpu.vector_store_idx %arg4[%or3A_165], %or3A_258 {add = true} : memref<32768xi32, #tpu.memory_space<vmem>>[vector<16xi32>], vector<16xi32>,
      tpu.vector_store_idx %arg4[%or3A_169], %or3A_267 {add = true} : memref<32768xi32, #tpu.memory_space<vmem>>[vector<16xi32>], vector<16xi32>,
      tpu.vector_store_idx %arg4[%or3A_173], %or3A_276 {add = true} : memref<32768xi32, #tpu.memory_space<vmem>>[vector<16xi32>], vector<16xi32>,
      tpu.vector_store_idx %arg4[%or3A_177], %or3A_285 {add = true} : memref<32768xi32, #tpu.memory_space<vmem>>[vector<16xi32>], vector<16xi32>,
      tpu.vector_store_idx %arg4[%or3A_181], %or3A_294 {add = true} : memref<32768xi32, #tpu.memory_space<vmem>>[vector<16xi32>], vector<16xi32>,
      tpu.vector_store_idx %arg4[%or3A_185], %or3A_303 {add = true} : memref<32768xi32, #tpu.memory_space<vmem>>[vector<16xi32>], vector<16xi32>,
      tpu.vector_store_idx %arg4[%or3A_189], %or3A_312 {add = true} : memref<32768xi32, #tpu.memory_space<vmem>>[vector<16xi32>], vector<16xi32>,
      tpu.vector_store_idx %arg4[%or3A_193], %or3A_321 {add = true} : memref<32768xi32, #tpu.memory_space<vmem>>[vector<16xi32>], vector<16xi32>,
      tpu.vector_store_idx %arg4[%or3A_197], %or3A_330 {add = true} : memref<32768xi32, #tpu.memory_space<vmem>>[vector<16xi32>], vector<16xi32>,
      tpu.vector_store_idx %arg4[%or3A_201], %or3A_339 {add = true} : memref<32768xi32, #tpu.memory_space<vmem>>[vector<16xi32>], vector<16xi32>,
      tpu.vector_store_idx %arg4[%or3A_205], %or3A_348 {add = true} : memref<32768xi32, #tpu.memory_space<vmem>>[vector<16xi32>], vector<16xi32>,
    }
    %scan3A_73 = arith.constant 128 : i32
    %scan3A_74 = arith.constant 0 : i32
    %scan3A_75 = arith.constant 128 : i32
    %scan3A_76 = arith.addi %scan3A_74, %scan3A_75 : i32
    %scan3A_77 = arith.constant 1 : i32
    scf.for %scan3A_81 = %scan3A_74 to %scan3A_76 step %scan3A_77  : i32 {
      %mul3A_82 = arith.constant 16 : i32
      %mul3A_83 = arith.muli %scan3A_81, %mul3A_82 : i32
      %get3A = arith.index_cast %mul3A_83 : i32 to index
      %get3A_84 = tpu.vector_load %arg4[%get3A] {strides = array<i32>} : memref<32768xi32, #tpu.memory_space<vmem>>, vector<16xi32>,
      %add3A_85 = arith.constant 2048 : i32
      %add3A_86 = arith.addi %add3A_85, %mul3A_83 : i32
      %get3A_87 = arith.index_cast %add3A_86 : i32 to index
      %get3A_88 = tpu.vector_load %arg4[%get3A_87] {strides = array<i32>} : memref<32768xi32, #tpu.memory_space<vmem>>, vector<16xi32>,
      %add3A_89 = arith.addi %get3A_84, %get3A_88 : vector<16xi32>
      %add3A_90 = arith.constant 4096 : i32
      %add3A_91 = arith.addi %add3A_90, %mul3A_83 : i32
      %get3A_92 = arith.index_cast %add3A_91 : i32 to index
      %get3A_93 = tpu.vector_load %arg4[%get3A_92] {strides = array<i32>} : memref<32768xi32, #tpu.memory_space<vmem>>, vector<16xi32>,
      %add3A_94 = arith.addi %add3A_89, %get3A_93 : vector<16xi32>
      %add3A_95 = arith.constant 6144 : i32
      %add3A_96 = arith.addi %add3A_95, %mul3A_83 : i32
      %get3A_97 = arith.index_cast %add3A_96 : i32 to index
      %get3A_98 = tpu.vector_load %arg4[%get3A_97] {strides = array<i32>} : memref<32768xi32, #tpu.memory_space<vmem>>, vector<16xi32>,
      %add3A_99 = arith.addi %add3A_94, %get3A_98 : vector<16xi32>
      %add3A_100 = arith.constant 8192 : i32
      %add3A_101 = arith.addi %add3A_100, %mul3A_83 : i32
      %get3A_102 = arith.index_cast %add3A_101 : i32 to index
      %get3A_103 = tpu.vector_load %arg4[%get3A_102] {strides = array<i32>} : memref<32768xi32, #tpu.memory_space<vmem>>, vector<16xi32>,
      %add3A_104 = arith.addi %add3A_99, %get3A_103 : vector<16xi32>
      %add3A_105 = arith.constant 10240 : i32
      %add3A_106 = arith.addi %add3A_105, %mul3A_83 : i32
      %get3A_107 = arith.index_cast %add3A_106 : i32 to index
      %get3A_108 = tpu.vector_load %arg4[%get3A_107] {strides = array<i32>} : memref<32768xi32, #tpu.memory_space<vmem>>, vector<16xi32>,
      %add3A_109 = arith.addi %add3A_104, %get3A_108 : vector<16xi32>
      %add3A_110 = arith.constant 12288 : i32
      %add3A_111 = arith.addi %add3A_110, %mul3A_83 : i32
      %get3A_112 = arith.index_cast %add3A_111 : i32 to index
      %get3A_113 = tpu.vector_load %arg4[%get3A_112] {strides = array<i32>} : memref<32768xi32, #tpu.memory_space<vmem>>, vector<16xi32>,
      %add3A_114 = arith.addi %add3A_109, %get3A_113 : vector<16xi32>
      %add3A_115 = arith.constant 14336 : i32
      %add3A_116 = arith.addi %add3A_115, %mul3A_83 : i32
      %get3A_117 = arith.index_cast %add3A_116 : i32 to index
      %get3A_118 = tpu.vector_load %arg4[%get3A_117] {strides = array<i32>} : memref<32768xi32, #tpu.memory_space<vmem>>, vector<16xi32>,
      %add3A_119 = arith.addi %add3A_114, %get3A_118 : vector<16xi32>
      %add3A_120 = arith.constant 16384 : i32
      %add3A_121 = arith.addi %add3A_120, %mul3A_83 : i32
      %get3A_122 = arith.index_cast %add3A_121 : i32 to index
      %get3A_123 = tpu.vector_load %arg4[%get3A_122] {strides = array<i32>} : memref<32768xi32, #tpu.memory_space<vmem>>, vector<16xi32>,
      %add3A_124 = arith.addi %add3A_119, %get3A_123 : vector<16xi32>
      %add3A_125 = arith.constant 18432 : i32
      %add3A_126 = arith.addi %add3A_125, %mul3A_83 : i32
      %get3A_127 = arith.index_cast %add3A_126 : i32 to index
      %get3A_128 = tpu.vector_load %arg4[%get3A_127] {strides = array<i32>} : memref<32768xi32, #tpu.memory_space<vmem>>, vector<16xi32>,
      %add3A_129 = arith.addi %add3A_124, %get3A_128 : vector<16xi32>
      %add3A_130 = arith.constant 20480 : i32
      %add3A_131 = arith.addi %add3A_130, %mul3A_83 : i32
      %get3A_132 = arith.index_cast %add3A_131 : i32 to index
      %get3A_133 = tpu.vector_load %arg4[%get3A_132] {strides = array<i32>} : memref<32768xi32, #tpu.memory_space<vmem>>, vector<16xi32>,
      %add3A_134 = arith.addi %add3A_129, %get3A_133 : vector<16xi32>
      %add3A_135 = arith.constant 22528 : i32
      %add3A_136 = arith.addi %add3A_135, %mul3A_83 : i32
      %get3A_137 = arith.index_cast %add3A_136 : i32 to index
      %get3A_138 = tpu.vector_load %arg4[%get3A_137] {strides = array<i32>} : memref<32768xi32, #tpu.memory_space<vmem>>, vector<16xi32>,
      %add3A_139 = arith.addi %add3A_134, %get3A_138 : vector<16xi32>
      %add3A_140 = arith.constant 24576 : i32
      %add3A_141 = arith.addi %add3A_140, %mul3A_83 : i32
      %get3A_142 = arith.index_cast %add3A_141 : i32 to index
      %get3A_143 = tpu.vector_load %arg4[%get3A_142] {strides = array<i32>} : memref<32768xi32, #tpu.memory_space<vmem>>, vector<16xi32>,
      %add3A_144 = arith.addi %add3A_139, %get3A_143 : vector<16xi32>
      %add3A_145 = arith.constant 26624 : i32
      %add3A_146 = arith.addi %add3A_145, %mul3A_83 : i32
      %get3A_147 = arith.index_cast %add3A_146 : i32 to index
      %get3A_148 = tpu.vector_load %arg4[%get3A_147] {strides = array<i32>} : memref<32768xi32, #tpu.memory_space<vmem>>, vector<16xi32>,
      %add3A_149 = arith.addi %add3A_144, %get3A_148 : vector<16xi32>
      %add3A_150 = arith.constant 28672 : i32
      %add3A_151 = arith.addi %add3A_150, %mul3A_83 : i32
      %get3A_152 = arith.index_cast %add3A_151 : i32 to index
      %get3A_153 = tpu.vector_load %arg4[%get3A_152] {strides = array<i32>} : memref<32768xi32, #tpu.memory_space<vmem>>, vector<16xi32>,
      %add3A_154 = arith.addi %add3A_149, %get3A_153 : vector<16xi32>
      %add3A_155 = arith.constant 30720 : i32
      %add3A_156 = arith.addi %add3A_155, %mul3A_83 : i32
      %get3A_157 = arith.index_cast %add3A_156 : i32 to index
      %get3A_158 = tpu.vector_load %arg4[%get3A_157] {strides = array<i32>} : memref<32768xi32, #tpu.memory_space<vmem>>, vector<16xi32>,
      %add3A_159 = arith.addi %add3A_154, %get3A_158 : vector<16xi32>
      %swap3A = arith.index_cast %mul3A_83 : i32 to index
      %swap3A_160 = tpu.vector_load %arg5[%swap3A] {strides = array<i32>} : memref<2048xi32, #tpu.memory_space<vmem>>, vector<16xi32>,
      tpu.vector_store %arg5[%swap3A], %add3A_159 {strides = array<i32>} : memref<2048xi32, #tpu.memory_space<vmem>>, vector<16xi32>,
    }
    %scan3A_78 = arith.constant 128 : i32
    %mul3A_79 = arith.constant 2048 : i32
    %mul3A_80 = arith.muli %add3A, %mul3A_79 : i32
    "tpu.region"() ({
      %run_scoped3A = tpu.sem_alloc : memref<!tpu.dma_semaphore, #tpu.memory_space<semaphore_mem>>
      %dma_start3A_81 = tpu.memref_slice %arg3[%mul3A_80] : memref<65536xi32, #tpu.memory_space<hbm>> -> memref<2048xi32, #tpu.memory_space<hbm>>
      %dma_start3A_82 = tpu.memref_slice %arg3[%mul3A_80] : memref<65536xi32, #tpu.memory_space<hbm>> -> memref<2048xi32, #tpu.memory_space<hbm>>
      tpu.enqueue_dma source(%arg5 : memref<2048xi32, #tpu.memory_space<vmem>>) target(%dma_start3A_82 : memref<2048xi32, #tpu.memory_space<hbm>>) target_semaphore(%run_scoped3A : memref<!tpu.dma_semaphore, #tpu.memory_space<semaphore_mem>>)
      %dma_wait3A_83 = tpu.memref_slice %arg3[%mul3A_80] : memref<65536xi32, #tpu.memory_space<hbm>> -> memref<2048xi32, #tpu.memory_space<hbm>>
      %dma_wait3A_84 = tpu.memref_slice %arg3[%mul3A_80] : memref<65536xi32, #tpu.memory_space<hbm>> -> memref<2048xi32, #tpu.memory_space<hbm>>
      tpu.wait_dma2 semaphore(%run_scoped3A : memref<!tpu.dma_semaphore, #tpu.memory_space<semaphore_mem>>) src(%arg5 : memref<2048xi32, #tpu.memory_space<vmem>>) dst(%dma_wait3A_84 : memref<2048xi32, #tpu.memory_space<hbm>>)
      tpu.yield
    }) : () -> ()
    return
  }
}

module attributes {stable_mosaic.version = 14 : i64} {
  func.func @_tc_fin_body(%arg0: i32, %arg1: memref<512x128xi32, #tpu.memory_space<vmem>>, %arg2: memref<8x1x128xf32, #tpu.memory_space<vmem>>, %arg3: memref<8x1x128xf32, #tpu.memory_space<vmem>>, %arg4: memref<1x1x128xf32, #tpu.memory_space<vmem>>) attributes {dimension_semantics = [#tpu.dimension_semantics<arbitrary>], iteration_bounds = array<i64: 1>, scalar_prefetch = 0 : i64, scratch_operands = 0 : i64, tpu.core_type = #tpu.core_type<tc>, window_params = [{pipeline_mode = #tpu.pipeline_mode<synchronous>, transform_indices = @transform_0, window_bounds = array<i64: 512, 128>}, {pipeline_mode = #tpu.pipeline_mode<synchronous>, transform_indices = @transform_1, window_bounds = array<i64: 8, 1, 128>}, {pipeline_mode = #tpu.pipeline_mode<synchronous>, transform_indices = @transform_2, window_bounds = array<i64: 8, 1, 128>}, {pipeline_mode = #tpu.pipeline_mode<synchronous>, transform_indices = @transform_3, window_bounds = array<i64: 1, 1, 128>}]} {
    %get3A = arith.constant 0 : index
    %get3A_0 = arith.constant 0 : index
    %get3A_1 = vector.load %arg1[%get3A, %get3A_0] : memref<512x128xi32, #tpu.memory_space<vmem>>, vector<512x128xi32>
    %reshape3A = vector.shape_cast %get3A_1 : vector<512x128xi32> to vector<8x4x16x128xi32>
    %reduce_sum3A = arith.constant dense<0> : vector<8x16x128xi32>
    %reduce_sum3A_2 = vector.multi_reduction <add>, %reshape3A, %reduce_sum3A [1] : vector<8x4x16x128xi32> to vector<8x16x128xi32>
    %reshape3A_3 = vector.shape_cast %reduce_sum3A_2 : vector<8x16x128xi32> to vector<128x128xi32>
    %iota3A = tpu.iota {dimensions = array<i32: 0>} : vector<128x128xi32>
    %iota3A_4 = tpu.iota {dimensions = array<i32: 1>} : vector<128x128xi32>
    %jit3A = arith.constant 16 : i32
    %eq3A = arith.constant 0 : i32
    %eq3A_5 = arith.cmpi eq, %jit3A, %eq3A : i32
    %jit3A_6 = arith.constant 1 : i32
    %select_n3A = arith.select %eq3A_5, %jit3A_6, %jit3A : i32
    %rem3A = vector.broadcast %select_n3A : i32 to vector<128x128xi32>
    %rem3A_7 = arith.remsi %iota3A, %rem3A : vector<128x128xi32>
    %ne3A = arith.constant 0 : i32
    %ne3A_8 = vector.broadcast %ne3A : i32 to vector<128x128xi32>
    %ne3A_9 = arith.cmpi ne, %rem3A_7, %ne3A_8 : vector<128x128xi32>
    %lt3A = arith.constant 0 : i32
    %lt3A_10 = vector.broadcast %lt3A : i32 to vector<128x128xi32>
    %lt3A_11 = arith.cmpi slt, %rem3A_7, %lt3A_10 : vector<128x128xi32>
    %lt3A_12 = arith.constant 0 : i32
    %lt3A_13 = arith.cmpi slt, %select_n3A, %lt3A_12 : i32
    %ne3A_14 = vector.broadcast %lt3A_13 : i1 to vector<128x128xi1>
    %ne3A_15 = vector.broadcast %ne3A_14 : vector<128x128xi1> to vector<128x128xi1>
    %ne3A_16 = arith.xori %lt3A_11, %ne3A_15 : vector<128x128xi1>
    %and3A = arith.andi %ne3A_16, %ne3A_9 : vector<128x128xi1>
    %add3A = vector.broadcast %select_n3A : i32 to vector<128x128xi32>
    %add3A_17 = arith.addi %rem3A_7, %add3A : vector<128x128xi32>
    %select_n3A_18 = arith.select %and3A, %add3A_17, %rem3A_7 : vector<128x128xi1>, vector<128x128xi32>
    %mul3A = arith.constant 128 : i32
    %mul3A_19 = vector.broadcast %mul3A : i32 to vector<128x128xi32>
    %mul3A_20 = arith.muli %select_n3A_18, %mul3A_19 : vector<128x128xi32>
    %add3A_21 = arith.addi %mul3A_20, %iota3A_4 : vector<128x128xi32>
    %ge3A = arith.constant 1 : i32
    %ge3A_22 = vector.broadcast %ge3A : i32 to vector<128x128xi32>
    %ge3A_23 = arith.cmpi sge, %add3A_21, %ge3A_22 : vector<128x128xi32>
    %convert_element_type3A = arith.extui %ge3A_23 : vector<128x128xi1> to vector<128x128xi32>
    %convert_element_type3A_24 = arith.sitofp %convert_element_type3A : vector<128x128xi32> to vector<128x128xf32>
    %convert_element_type3A_25 = arith.sitofp %add3A_21 : vector<128x128xi32> to vector<128x128xf32>
    %sub3A = arith.constant 5.000000e-01 : f32
    %sub3A_26 = vector.broadcast %sub3A : f32 to vector<128x128xf32>
    %sub3A_27 = arith.subf %convert_element_type3A_25, %sub3A_26 : vector<128x128xf32>
    %mul3A_28 = arith.constant 0.00390815828 : f32
    %mul3A_29 = vector.broadcast %mul3A_28 : f32 to vector<128x128xf32>
    %mul3A_30 = arith.mulf %sub3A_27, %mul3A_29 : vector<128x128xf32>
    %shift_right_logical3A = arith.constant 16 : i32
    %shift_right_logical3A_31 = vector.broadcast %shift_right_logical3A : i32 to vector<128x128xi32>
    %shift_right_logical3A_32 = arith.shrui %reshape3A_3, %shift_right_logical3A_31 : vector<128x128xi32>
    %convert_element_type3A_33 = arith.sitofp %shift_right_logical3A_32 : vector<128x128xi32> to vector<128x128xf32>
    %mul3A_34 = arith.mulf %convert_element_type3A_33, %convert_element_type3A_24 : vector<128x128xf32>
    %and3A_35 = arith.constant 65535 : i32
    %and3A_36 = vector.broadcast %and3A_35 : i32 to vector<128x128xi32>
    %and3A_37 = arith.andi %reshape3A_3, %and3A_36 : vector<128x128xi32>
    %convert_element_type3A_38 = arith.sitofp %and3A_37 : vector<128x128xi32> to vector<128x128xf32>
    %mul3A_39 = arith.mulf %convert_element_type3A_38, %convert_element_type3A_24 : vector<128x128xf32>
    %mul3A_40 = arith.mulf %mul3A_30, %mul3A_39 : vector<128x128xf32>
    %iota3A_41 = tpu.iota {dimensions = array<i32: 0>} : vector<128x128xi32>
    %iota3A_42 = tpu.iota {dimensions = array<i32: 1>} : vector<128x128xi32>
    %jit3A_43 = arith.constant 16 : i32
    %div3A = vector.broadcast %jit3A_43 : i32 to vector<128x128xi32>
    %div3A_44 = arith.divsi %iota3A_41, %div3A : vector<128x128xi32>
    %sign3A = arith.constant 0 : i32
    %sign3A_45 = vector.broadcast %sign3A : i32 to vector<128x128xi32>
    %sign3A_46 = arith.cmpi sgt, %iota3A_41, %sign3A_45 : vector<128x128xi32>
    %sign3A_47 = arith.extui %sign3A_46 : vector<128x128xi1> to vector<128x128xi32>
    %sign3A_48 = arith.constant 0 : i32
    %sign3A_49 = vector.broadcast %sign3A_48 : i32 to vector<128x128xi32>
    %sign3A_50 = arith.cmpi slt, %iota3A_41, %sign3A_49 : vector<128x128xi32>
    %sign3A_51 = arith.extui %sign3A_50 : vector<128x128xi1> to vector<128x128xi32>
    %sign3A_52 = arith.subi %sign3A_47, %sign3A_51 : vector<128x128xi32>
    %sign3A_53 = arith.constant 0 : i32
    %sign3A_54 = arith.cmpi sgt, %jit3A_43, %sign3A_53 : i32
    %sign3A_55 = arith.extui %sign3A_54 : i1 to i32
    %sign3A_56 = arith.constant 0 : i32
    %sign3A_57 = arith.cmpi slt, %jit3A_43, %sign3A_56 : i32
    %sign3A_58 = arith.extui %sign3A_57 : i1 to i32
    %sign3A_59 = arith.subi %sign3A_55, %sign3A_58 : i32
    %ne3A_60 = vector.broadcast %sign3A_59 : i32 to vector<128x128xi32>
    %ne3A_61 = arith.cmpi ne, %sign3A_52, %ne3A_60 : vector<128x128xi32>
    %rem3A_62 = vector.broadcast %jit3A_43 : i32 to vector<128x128xi32>
    %rem3A_63 = arith.remsi %iota3A_41, %rem3A_62 : vector<128x128xi32>
    %ne3A_64 = arith.constant 0 : i32
    %ne3A_65 = vector.broadcast %ne3A_64 : i32 to vector<128x128xi32>
    %ne3A_66 = arith.cmpi ne, %rem3A_63, %ne3A_65 : vector<128x128xi32>
    %and3A_67 = arith.andi %ne3A_61, %ne3A_66 : vector<128x128xi1>
    %sub3A_68 = arith.constant 1 : i32
    %sub3A_69 = vector.broadcast %sub3A_68 : i32 to vector<128x128xi32>
    %sub3A_70 = arith.subi %div3A_44, %sub3A_69 : vector<128x128xi32>
    %select_n3A_71 = arith.select %and3A_67, %sub3A_70, %div3A_44 : vector<128x128xi1>, vector<128x128xi32>
    %jit3A_72 = arith.constant 16 : i32
    %div3A_73 = vector.broadcast %jit3A_72 : i32 to vector<128x128xi32>
    %div3A_74 = arith.divsi %iota3A_42, %div3A_73 : vector<128x128xi32>
    %sign3A_75 = arith.constant 0 : i32
    %sign3A_76 = vector.broadcast %sign3A_75 : i32 to vector<128x128xi32>
    %sign3A_77 = arith.cmpi sgt, %iota3A_42, %sign3A_76 : vector<128x128xi32>
    %sign3A_78 = arith.extui %sign3A_77 : vector<128x128xi1> to vector<128x128xi32>
    %sign3A_79 = arith.constant 0 : i32
    %sign3A_80 = vector.broadcast %sign3A_79 : i32 to vector<128x128xi32>
    %sign3A_81 = arith.cmpi slt, %iota3A_42, %sign3A_80 : vector<128x128xi32>
    %sign3A_82 = arith.extui %sign3A_81 : vector<128x128xi1> to vector<128x128xi32>
    %sign3A_83 = arith.subi %sign3A_78, %sign3A_82 : vector<128x128xi32>
    %sign3A_84 = arith.constant 0 : i32
    %sign3A_85 = arith.cmpi sgt, %jit3A_72, %sign3A_84 : i32
    %sign3A_86 = arith.extui %sign3A_85 : i1 to i32
    %sign3A_87 = arith.constant 0 : i32
    %sign3A_88 = arith.cmpi slt, %jit3A_72, %sign3A_87 : i32
    %sign3A_89 = arith.extui %sign3A_88 : i1 to i32
    %sign3A_90 = arith.subi %sign3A_86, %sign3A_89 : i32
    %ne3A_91 = vector.broadcast %sign3A_90 : i32 to vector<128x128xi32>
    %ne3A_92 = arith.cmpi ne, %sign3A_83, %ne3A_91 : vector<128x128xi32>
    %rem3A_93 = vector.broadcast %jit3A_72 : i32 to vector<128x128xi32>
    %rem3A_94 = arith.remsi %iota3A_42, %rem3A_93 : vector<128x128xi32>
    %ne3A_95 = arith.constant 0 : i32
    %ne3A_96 = vector.broadcast %ne3A_95 : i32 to vector<128x128xi32>
    %ne3A_97 = arith.cmpi ne, %rem3A_94, %ne3A_96 : vector<128x128xi32>
    %and3A_98 = arith.andi %ne3A_92, %ne3A_97 : vector<128x128xi1>
    %sub3A_99 = arith.constant 1 : i32
    %sub3A_100 = vector.broadcast %sub3A_99 : i32 to vector<128x128xi32>
    %sub3A_101 = arith.subi %div3A_74, %sub3A_100 : vector<128x128xi32>
    %select_n3A_102 = arith.select %and3A_98, %sub3A_101, %div3A_74 : vector<128x128xi1>, vector<128x128xi32>
    %eq3A_103 = arith.cmpi eq, %select_n3A_71, %select_n3A_102 : vector<128x128xi32>
    %iota3A_104 = tpu.iota {dimensions = array<i32: 0>} : vector<128x128xi32>
    %iota3A_105 = tpu.iota {dimensions = array<i32: 1>} : vector<128x128xi32>
    %le3A = arith.cmpi sle, %iota3A_104, %iota3A_105 : vector<128x128xi32>
    %convert_element_type3A_106 = arith.extui %le3A : vector<128x128xi1> to vector<128x128xi32>
    %convert_element_type3A_107 = arith.sitofp %convert_element_type3A_106 : vector<128x128xi32> to vector<128x128xf32>
    %lt3A_108 = arith.cmpi slt, %iota3A_42, %iota3A_41 : vector<128x128xi32>
    %and3A_109 = arith.andi %eq3A_103, %lt3A_108 : vector<128x128xi1>
    %convert_element_type3A_110 = arith.extui %and3A_109 : vector<128x128xi1> to vector<128x128xi32>
    %convert_element_type3A_111 = arith.sitofp %convert_element_type3A_110 : vector<128x128xi32> to vector<128x128xf32>
    %convert_element_type3A_112 = arith.extui %eq3A_103 : vector<128x128xi1> to vector<128x128xi32>
    %convert_element_type3A_113 = arith.sitofp %convert_element_type3A_112 : vector<128x128xi32> to vector<128x128xf32>
    %dot_general3A = arith.constant dense<0.000000e+00> : vector<128x128xf32>
    %dot_general3A_114 = tpu.matmul %mul3A_39, %convert_element_type3A_107, %dot_general3A {dimension_numbers = #tpu.dot_dimension_numbers<[1], [0], [0], [1], [0, 0, 1, 1], [], []>, transpose_lhs_hint = false} : vector<128x128xf32>, vector<128x128xf32>, vector<128x128xf32> -> vector<128x128xf32>
    %slice3A = vector.extract_strided_slice %dot_general3A_114 {offsets = [0, 127], sizes = [128, 1], strides = [1, 1]} : vector<128x128xf32> to vector<128x1xf32>
    %dot_general3A_115 = arith.constant dense<0.000000e+00> : vector<128x1xf32>
    %dot_general3A_116 = tpu.matmul %convert_element_type3A_111, %slice3A, %dot_general3A_115 {dimension_numbers = #tpu.dot_dimension_numbers<[1], [0], [0], [1], [0, 0, 1, 1], [], []>, transpose_lhs_hint = false} : vector<128x128xf32>, vector<128x1xf32>, vector<128x1xf32> -> vector<128x1xf32>
    %add3A_117 = vector.broadcast %dot_general3A_116 : vector<128x1xf32> to vector<128x128xf32>
    %add3A_118 = arith.addf %dot_general3A_114, %add3A_117 : vector<128x128xf32>
    %dot_general3A_119 = arith.constant dense<0.000000e+00> : vector<128x1xf32>
    %dot_general3A_120 = tpu.matmul %convert_element_type3A_113, %slice3A, %dot_general3A_119 {dimension_numbers = #tpu.dot_dimension_numbers<[1], [0], [0], [1], [0, 0, 1, 1], [], []>, transpose_lhs_hint = false} : vector<128x128xf32>, vector<128x1xf32>, vector<128x1xf32> -> vector<128x1xf32>
    %dot_general3A_121 = arith.constant dense<0.000000e+00> : vector<128x128xf32>
    %dot_general3A_122 = tpu.matmul %mul3A_34, %convert_element_type3A_107, %dot_general3A_121 {dimension_numbers = #tpu.dot_dimension_numbers<[1], [0], [0], [1], [0, 0, 1, 1], [], []>, transpose_lhs_hint = false} : vector<128x128xf32>, vector<128x128xf32>, vector<128x128xf32> -> vector<128x128xf32>
    %slice3A_123 = vector.extract_strided_slice %dot_general3A_122 {offsets = [0, 127], sizes = [128, 1], strides = [1, 1]} : vector<128x128xf32> to vector<128x1xf32>
    %dot_general3A_124 = arith.constant dense<0.000000e+00> : vector<128x1xf32>
    %dot_general3A_125 = tpu.matmul %convert_element_type3A_111, %slice3A_123, %dot_general3A_124 {dimension_numbers = #tpu.dot_dimension_numbers<[1], [0], [0], [1], [0, 0, 1, 1], [], []>, transpose_lhs_hint = false} : vector<128x128xf32>, vector<128x1xf32>, vector<128x1xf32> -> vector<128x1xf32>
    %add3A_126 = vector.broadcast %dot_general3A_125 : vector<128x1xf32> to vector<128x128xf32>
    %add3A_127 = arith.addf %dot_general3A_122, %add3A_126 : vector<128x128xf32>
    %dot_general3A_128 = arith.constant dense<0.000000e+00> : vector<128x1xf32>
    %dot_general3A_129 = tpu.matmul %convert_element_type3A_113, %slice3A_123, %dot_general3A_128 {dimension_numbers = #tpu.dot_dimension_numbers<[1], [0], [0], [1], [0, 0, 1, 1], [], []>, transpose_lhs_hint = false} : vector<128x128xf32>, vector<128x1xf32>, vector<128x1xf32> -> vector<128x1xf32>
    %dot_general3A_130 = arith.constant dense<0.000000e+00> : vector<128x128xf32>
    %dot_general3A_131 = tpu.matmul %mul3A_40, %convert_element_type3A_107, %dot_general3A_130 {dimension_numbers = #tpu.dot_dimension_numbers<[1], [0], [0], [1], [0, 0, 1, 1], [], []>, transpose_lhs_hint = false} : vector<128x128xf32>, vector<128x128xf32>, vector<128x128xf32> -> vector<128x128xf32>
    %slice3A_132 = vector.extract_strided_slice %dot_general3A_131 {offsets = [0, 127], sizes = [128, 1], strides = [1, 1]} : vector<128x128xf32> to vector<128x1xf32>
    %dot_general3A_133 = arith.constant dense<0.000000e+00> : vector<128x1xf32>
    %dot_general3A_134 = tpu.matmul %convert_element_type3A_111, %slice3A_132, %dot_general3A_133 {dimension_numbers = #tpu.dot_dimension_numbers<[1], [0], [0], [1], [0, 0, 1, 1], [], []>, transpose_lhs_hint = false} : vector<128x128xf32>, vector<128x1xf32>, vector<128x1xf32> -> vector<128x1xf32>
    %add3A_135 = vector.broadcast %dot_general3A_134 : vector<128x1xf32> to vector<128x128xf32>
    %add3A_136 = arith.addf %dot_general3A_131, %add3A_135 : vector<128x128xf32>
    %dot_general3A_137 = arith.constant dense<0.000000e+00> : vector<128x1xf32>
    %dot_general3A_138 = tpu.matmul %convert_element_type3A_113, %slice3A_132, %dot_general3A_137 {dimension_numbers = #tpu.dot_dimension_numbers<[1], [0], [0], [1], [0, 0, 1, 1], [], []>, transpose_lhs_hint = false} : vector<128x128xf32>, vector<128x1xf32>, vector<128x1xf32> -> vector<128x1xf32>
    %get3A_139 = arith.constant 0 : index
    %get3A_140 = arith.constant 0 : index
    %get3A_141 = arith.constant 0 : index
    %get3A_142 = vector.load %arg2[%get3A_139, %get3A_140, %get3A_141] : memref<8x1x128xf32, #tpu.memory_space<vmem>>, vector<8x1x128xf32>
    %slice3A_143 = vector.extract_strided_slice %get3A_142 {offsets = [0, 0, 0], sizes = [8, 1, 1], strides = [1, 1, 1]} : vector<8x1x128xf32> to vector<8x1x1xf32>
    %squeeze3A = vector.shape_cast %slice3A_143 : vector<8x1x1xf32> to vector<8x1xf32>
    %jit3A_144 = arith.constant 16 : i32
    %div3A_145 = vector.broadcast %jit3A_144 : i32 to vector<128x128xi32>
    %div3A_146 = arith.divsi %iota3A_41, %div3A_145 : vector<128x128xi32>
    %sign3A_147 = arith.constant 0 : i32
    %sign3A_148 = vector.broadcast %sign3A_147 : i32 to vector<128x128xi32>
    %sign3A_149 = arith.cmpi sgt, %iota3A_41, %sign3A_148 : vector<128x128xi32>
    %sign3A_150 = arith.extui %sign3A_149 : vector<128x128xi1> to vector<128x128xi32>
    %sign3A_151 = arith.constant 0 : i32
    %sign3A_152 = vector.broadcast %sign3A_151 : i32 to vector<128x128xi32>
    %sign3A_153 = arith.cmpi slt, %iota3A_41, %sign3A_152 : vector<128x128xi32>
    %sign3A_154 = arith.extui %sign3A_153 : vector<128x128xi1> to vector<128x128xi32>
    %sign3A_155 = arith.subi %sign3A_150, %sign3A_154 : vector<128x128xi32>
    %sign3A_156 = arith.constant 0 : i32
    %sign3A_157 = arith.cmpi sgt, %jit3A_144, %sign3A_156 : i32
    %sign3A_158 = arith.extui %sign3A_157 : i1 to i32
    %sign3A_159 = arith.constant 0 : i32
    %sign3A_160 = arith.cmpi slt, %jit3A_144, %sign3A_159 : i32
    %sign3A_161 = arith.extui %sign3A_160 : i1 to i32
    %sign3A_162 = arith.subi %sign3A_158, %sign3A_161 : i32
    %ne3A_163 = vector.broadcast %sign3A_162 : i32 to vector<128x128xi32>
    %ne3A_164 = arith.cmpi ne, %sign3A_155, %ne3A_163 : vector<128x128xi32>
    %rem3A_165 = vector.broadcast %jit3A_144 : i32 to vector<128x128xi32>
    %rem3A_166 = arith.remsi %iota3A_41, %rem3A_165 : vector<128x128xi32>
    %ne3A_167 = arith.constant 0 : i32
    %ne3A_168 = vector.broadcast %ne3A_167 : i32 to vector<128x128xi32>
    %ne3A_169 = arith.cmpi ne, %rem3A_166, %ne3A_168 : vector<128x128xi32>
    %and3A_170 = arith.andi %ne3A_164, %ne3A_169 : vector<128x128xi1>
    %sub3A_171 = arith.constant 1 : i32
    %sub3A_172 = vector.broadcast %sub3A_171 : i32 to vector<128x128xi32>
    %sub3A_173 = arith.subi %div3A_146, %sub3A_172 : vector<128x128xi32>
    %select_n3A_174 = arith.select %and3A_170, %sub3A_173, %div3A_146 : vector<128x128xi1>, vector<128x128xi32>
    %eq3A_175 = arith.cmpi eq, %select_n3A_174, %iota3A_42 : vector<128x128xi32>
    %convert_element_type3A_176 = arith.extui %eq3A_175 : vector<128x128xi1> to vector<128x128xi32>
    %convert_element_type3A_177 = arith.sitofp %convert_element_type3A_176 : vector<128x128xi32> to vector<128x128xf32>
    %slice3A_178 = vector.extract_strided_slice %convert_element_type3A_177 {offsets = [0, 0], sizes = [128, 8], strides = [1, 1]} : vector<128x128xf32> to vector<128x8xf32>
    %dot_general3A_179 = arith.constant dense<0.000000e+00> : vector<128x1xf32>
    %dot_general3A_180 = tpu.matmul %slice3A_178, %squeeze3A, %dot_general3A_179 {dimension_numbers = #tpu.dot_dimension_numbers<[1], [0], [0], [1], [0, 0, 1, 1], [], []>, transpose_lhs_hint = false} : vector<128x8xf32>, vector<8x1xf32>, vector<128x1xf32> -> vector<128x1xf32>
    %max3A = arith.constant 1.000000e+00 : f32
    %max3A_181 = vector.broadcast %max3A : f32 to vector<128x1xf32>
    %max3A_182 = arith.maximumf %dot_general3A_180, %max3A_181 : vector<128x1xf32>
    %sub3A_183 = vector.broadcast %dot_general3A_120 : vector<128x1xf32> to vector<128x128xf32>
    %sub3A_184 = arith.subf %sub3A_183, %add3A_118 : vector<128x128xf32>
    %sub3A_185 = vector.broadcast %dot_general3A_129 : vector<128x1xf32> to vector<128x128xf32>
    %sub3A_186 = arith.subf %sub3A_185, %add3A_127 : vector<128x128xf32>
    %mul3A_187 = arith.mulf %mul3A_30, %sub3A_184 : vector<128x128xf32>
    %add3A_188 = arith.addf %mul3A_187, %add3A_136 : vector<128x128xf32>
    %add3A_189 = vector.broadcast %max3A_182 : vector<128x1xf32> to vector<128x128xf32>
    %add3A_190 = arith.addf %add3A_189, %sub3A_186 : vector<128x128xf32>
    %mul3A_191 = arith.mulf %add3A_188, %mul3A_34 : vector<128x128xf32>
    %add3A_192 = arith.addf %add3A_190, %mul3A_34 : vector<128x128xf32>
    %mul3A_193 = arith.mulf %add3A_190, %add3A_192 : vector<128x128xf32>
    %div3A_194 = arith.divf %mul3A_191, %mul3A_193 : vector<128x128xf32>
    %div3A_195 = arith.divf %dot_general3A_138, %max3A_182 : vector<128x1xf32>
    %reduce_sum3A_196 = vector.shape_cast %div3A_195 : vector<128x1xf32> to vector<1x128x1xf32>
    %reduce_sum3A_197 = arith.constant dense<0.000000e+00> : vector<1xf32>
    %reduce_sum3A_198 = vector.multi_reduction <add>, %reduce_sum3A_196, %reduce_sum3A_197 [1, 2] : vector<1x128x1xf32> to vector<1xf32>
    %reduce_sum3A_199 = vector.shape_cast %reduce_sum3A_198 : vector<1xf32> to vector<1x1x1xf32>
    %reduce_sum3A_200 = vector.extract %reduce_sum3A_199[0, 0, 0] : f32 from vector<1x1x1xf32>
    %div3A_201 = arith.constant 1.600000e+01 : f32
    %div3A_202 = arith.divf %reduce_sum3A_200, %div3A_201 : f32
    %mul3A_203 = arith.mulf %div3A_194, %convert_element_type3A_24 : vector<128x128xf32>
    %reduce_sum3A_204 = vector.shape_cast %mul3A_203 : vector<128x128xf32> to vector<1x128x128xf32>
    %reduce_sum3A_205 = arith.constant dense<0.000000e+00> : vector<1xf32>
    %reduce_sum3A_206 = vector.multi_reduction <add>, %reduce_sum3A_204, %reduce_sum3A_205 [1, 2] : vector<1x128x128xf32> to vector<1xf32>
    %reduce_sum3A_207 = vector.shape_cast %reduce_sum3A_206 : vector<1xf32> to vector<1x1x1xf32>
    %reduce_sum3A_208 = vector.extract %reduce_sum3A_207[0, 0, 0] : f32 from vector<1x1x1xf32>
    %sub3A_209 = arith.subf %div3A_202, %reduce_sum3A_208 : f32
    %get3A_210 = arith.constant 0 : index
    %get3A_211 = arith.constant 0 : index
    %get3A_212 = arith.constant 0 : index
    %get3A_213 = vector.load %arg3[%get3A_210, %get3A_211, %get3A_212] : memref<8x1x128xf32, #tpu.memory_space<vmem>>, vector<8x1x128xf32>
    %slice3A_214 = vector.extract_strided_slice %get3A_213 {offsets = [0, 0, 0], sizes = [8, 1, 1], strides = [1, 1, 1]} : vector<8x1x128xf32> to vector<8x1x1xf32>
    %squeeze3A_215 = vector.shape_cast %slice3A_214 : vector<8x1x1xf32> to vector<8x1xf32>
    %reduce_sum3A_216 = vector.shape_cast %squeeze3A_215 : vector<8x1xf32> to vector<1x8x1xf32>
    %reduce_sum3A_217 = arith.constant dense<0.000000e+00> : vector<1xf32>
    %reduce_sum3A_218 = vector.multi_reduction <add>, %reduce_sum3A_216, %reduce_sum3A_217 [1, 2] : vector<1x8x1xf32> to vector<1xf32>
    %reduce_sum3A_219 = vector.shape_cast %reduce_sum3A_218 : vector<1xf32> to vector<1x1x1xf32>
    %reduce_sum3A_220 = vector.extract %reduce_sum3A_219[0, 0, 0] : f32 from vector<1x1x1xf32>
    %mul3A_221 = arith.constant 5.000000e-01 : f32
    %mul3A_222 = arith.mulf %mul3A_221, %sub3A_209 : f32
    %div3A_223 = arith.constant 8.000000e+00 : f32
    %div3A_224 = arith.divf %mul3A_222, %div3A_223 : f32
    %mul3A_225 = arith.constant 5.000000e-01 : f32
    %mul3A_226 = arith.mulf %mul3A_225, %reduce_sum3A_220 : f32
    %div3A_227 = arith.constant 0x4A000000 : f32
    %div3A_228 = arith.divf %mul3A_226, %div3A_227 : f32
    %add3A_229 = arith.addf %div3A_224, %div3A_228 : f32
    %broadcast_in_dim3A = vector.broadcast %add3A_229 : f32 to vector<1x1x128xf32>
    %swap3A = arith.constant 0 : index
    %swap3A_230 = arith.constant 0 : index
    %swap3A_231 = arith.constant 0 : index
    %swap3A_232 = vector.load %arg4[%swap3A, %swap3A_230, %swap3A_231] : memref<1x1x128xf32, #tpu.memory_space<vmem>>, vector<1x1x128xf32>
    tpu.vector_store %arg4[%swap3A, %swap3A_230, %swap3A_231], %broadcast_in_dim3A {strides = array<i32>} : memref<1x1x128xf32, #tpu.memory_space<vmem>>, vector<1x1x128xf32>,
    return
  }
  func.func @transform_0(%arg0: i32) -> (i32, i32) {
    %c0_i32 = arith.constant 0 : i32
    %c0_i32_0 = arith.constant 0 : i32
    %c0_i32_1 = arith.constant 0 : i32
    return %c0_i32, %c0_i32_0 : i32, i32
  }
  func.func @transform_1(%arg0: i32) -> (i32, i32, i32) {
    %c0_i32 = arith.constant 0 : i32
    %c0_i32_0 = arith.constant 0 : i32
    %c0_i32_1 = arith.constant 0 : i32
    %c0_i32_2 = arith.constant 0 : i32
    return %c0_i32, %c0_i32_0, %c0_i32_1 : i32, i32, i32
  }
  func.func @transform_2(%arg0: i32) -> (i32, i32, i32) {
    %c0_i32 = arith.constant 0 : i32
    %c0_i32_0 = arith.constant 0 : i32
    %c0_i32_1 = arith.constant 0 : i32
    %c0_i32_2 = arith.constant 0 : i32
    return %c0_i32, %c0_i32_0, %c0_i32_1 : i32, i32, i32
  }
  func.func @transform_3(%arg0: i32) -> (i32, i32, i32) {
    %c0_i32 = arith.constant 0 : i32
    %c0_i32_0 = arith.constant 0 : i32
    %c0_i32_1 = arith.constant 0 : i32
    %c0_i32_2 = arith.constant 0 : i32
    return %c0_i32, %c0_i32_0, %c0_i32_1 : i32, i32, i32
  }
}

module attributes {stable_mosaic.version = 14 : i64} {
  func.func @_tc_bce_body(%arg0: i32, %arg1: memref<1x1x512x512xf32, #tpu.memory_space<vmem>>, %arg2: memref<1x1x512x512xi32, #tpu.memory_space<vmem>>, %arg3: memref<1x1x128xf32, #tpu.memory_space<vmem>>, %arg4: memref<1x1x128xf32, #tpu.memory_space<vmem>>) attributes {dimension_semantics = [#tpu.dimension_semantics<arbitrary>], iteration_bounds = array<i64: 8>, scalar_prefetch = 0 : i64, scratch_operands = 0 : i64, tpu.core_type = #tpu.core_type<tc>, window_params = [{transform_indices = @transform_0, window_bounds = array<i64: 1, 1, 512, 512>}, {transform_indices = @transform_1, window_bounds = array<i64: 1, 1, 512, 512>}, {transform_indices = @transform_2, window_bounds = array<i64: 1, 1, 128>}, {transform_indices = @transform_3, window_bounds = array<i64: 1, 1, 128>}]} {
    %get3A = arith.constant 0 : index
    %get3A_0 = arith.constant 0 : index
    %get3A_1 = arith.constant 0 : index
    %get3A_2 = arith.constant 0 : index
    %get3A_3 = vector.load %arg1[%get3A, %get3A_0, %get3A_1, %get3A_2] : memref<1x1x512x512xf32, #tpu.memory_space<vmem>>, vector<1x1x512x128xf32>
    %get3A_4 = vector.shape_cast %get3A_3 : vector<1x1x512x128xf32> to vector<512x128xf32>
    %get3A_5 = arith.constant 0 : index
    %get3A_6 = arith.constant 0 : index
    %get3A_7 = arith.constant 0 : index
    %get3A_8 = arith.constant 0 : index
    %get3A_9 = vector.load %arg2[%get3A_5, %get3A_6, %get3A_7, %get3A_8] : memref<1x1x512x512xi32, #tpu.memory_space<vmem>>, vector<1x1x512x128xi32>
    %get3A_10 = vector.shape_cast %get3A_9 : vector<1x1x512x128xi32> to vector<512x128xi32>
    %eq3A = arith.constant 0 : i32
    %eq3A_11 = vector.broadcast %eq3A : i32 to vector<512x128xi32>
    %eq3A_12 = arith.cmpi eq, %get3A_10, %eq3A_11 : vector<512x128xi32>
    %jit3A = arith.constant 0.000000e+00 : f32
    %broadcast_in_dim3A = vector.broadcast %jit3A : f32 to vector<512x128xf32>
    %select_n3A = arith.select %eq3A_12, %broadcast_in_dim3A, %get3A_4 : vector<512x128xi1>, vector<512x128xf32>
    %exp3A = math.exp %get3A_4 : vector<512x128xf32>
    %log1p3A = math.log1p %exp3A : vector<512x128xf32>
    %sub3A = arith.subf %log1p3A, %select_n3A : vector<512x128xf32>
    %reduce_sum3A = vector.shape_cast %sub3A : vector<512x128xf32> to vector<1x512x128xf32>
    %reduce_sum3A_13 = arith.constant dense<0.000000e+00> : vector<1xf32>
    %reduce_sum3A_14 = vector.multi_reduction <add>, %reduce_sum3A, %reduce_sum3A_13 [1, 2] : vector<1x512x128xf32> to vector<1xf32>
    %reduce_sum3A_15 = vector.shape_cast %reduce_sum3A_14 : vector<1xf32> to vector<1x1x1xf32>
    %reduce_sum3A_16 = vector.extract %reduce_sum3A_15[0, 0, 0] : f32 from vector<1x1x1xf32>
    %add3A = arith.constant 0.000000e+00 : f32
    %add3A_17 = arith.addf %add3A, %reduce_sum3A_16 : f32
    %jit3A_18 = arith.constant 0.000000e+00 : f32
    %jit3A_19 = arith.constant 1.000000e+00 : f32
    %broadcast_in_dim3A_20 = vector.broadcast %jit3A_18 : f32 to vector<512x128xf32>
    %broadcast_in_dim3A_21 = vector.broadcast %jit3A_19 : f32 to vector<512x128xf32>
    %select_n3A_22 = arith.select %eq3A_12, %broadcast_in_dim3A_20, %broadcast_in_dim3A_21 : vector<512x128xi1>, vector<512x128xf32>
    %reduce_sum3A_23 = vector.shape_cast %select_n3A_22 : vector<512x128xf32> to vector<1x512x128xf32>
    %reduce_sum3A_24 = arith.constant dense<0.000000e+00> : vector<1xf32>
    %reduce_sum3A_25 = vector.multi_reduction <add>, %reduce_sum3A_23, %reduce_sum3A_24 [1, 2] : vector<1x512x128xf32> to vector<1xf32>
    %reduce_sum3A_26 = vector.shape_cast %reduce_sum3A_25 : vector<1xf32> to vector<1x1x1xf32>
    %reduce_sum3A_27 = vector.extract %reduce_sum3A_26[0, 0, 0] : f32 from vector<1x1x1xf32>
    %add3A_28 = arith.constant 0.000000e+00 : f32
    %add3A_29 = arith.addf %add3A_28, %reduce_sum3A_27 : f32
    %get3A_30 = arith.constant 0 : index
    %get3A_31 = arith.constant 0 : index
    %get3A_32 = arith.constant 0 : index
    %get3A_33 = arith.constant 128 : index
    %get3A_34 = vector.load %arg1[%get3A_30, %get3A_31, %get3A_32, %get3A_33] : memref<1x1x512x512xf32, #tpu.memory_space<vmem>>, vector<1x1x512x128xf32>
    %get3A_35 = vector.shape_cast %get3A_34 : vector<1x1x512x128xf32> to vector<512x128xf32>
    %get3A_36 = arith.constant 0 : index
    %get3A_37 = arith.constant 0 : index
    %get3A_38 = arith.constant 0 : index
    %get3A_39 = arith.constant 128 : index
    %get3A_40 = vector.load %arg2[%get3A_36, %get3A_37, %get3A_38, %get3A_39] : memref<1x1x512x512xi32, #tpu.memory_space<vmem>>, vector<1x1x512x128xi32>
    %get3A_41 = vector.shape_cast %get3A_40 : vector<1x1x512x128xi32> to vector<512x128xi32>
    %eq3A_42 = arith.constant 0 : i32
    %eq3A_43 = vector.broadcast %eq3A_42 : i32 to vector<512x128xi32>
    %eq3A_44 = arith.cmpi eq, %get3A_41, %eq3A_43 : vector<512x128xi32>
    %jit3A_45 = arith.constant 0.000000e+00 : f32
    %broadcast_in_dim3A_46 = vector.broadcast %jit3A_45 : f32 to vector<512x128xf32>
    %select_n3A_47 = arith.select %eq3A_44, %broadcast_in_dim3A_46, %get3A_35 : vector<512x128xi1>, vector<512x128xf32>
    %exp3A_48 = math.exp %get3A_35 : vector<512x128xf32>
    %log1p3A_49 = math.log1p %exp3A_48 : vector<512x128xf32>
    %sub3A_50 = arith.subf %log1p3A_49, %select_n3A_47 : vector<512x128xf32>
    %reduce_sum3A_51 = vector.shape_cast %sub3A_50 : vector<512x128xf32> to vector<1x512x128xf32>
    %reduce_sum3A_52 = arith.constant dense<0.000000e+00> : vector<1xf32>
    %reduce_sum3A_53 = vector.multi_reduction <add>, %reduce_sum3A_51, %reduce_sum3A_52 [1, 2] : vector<1x512x128xf32> to vector<1xf32>
    %reduce_sum3A_54 = vector.shape_cast %reduce_sum3A_53 : vector<1xf32> to vector<1x1x1xf32>
    %reduce_sum3A_55 = vector.extract %reduce_sum3A_54[0, 0, 0] : f32 from vector<1x1x1xf32>
    %add3A_56 = arith.addf %add3A_17, %reduce_sum3A_55 : f32
    %jit3A_57 = arith.constant 0.000000e+00 : f32
    %jit3A_58 = arith.constant 1.000000e+00 : f32
    %broadcast_in_dim3A_59 = vector.broadcast %jit3A_57 : f32 to vector<512x128xf32>
    %broadcast_in_dim3A_60 = vector.broadcast %jit3A_58 : f32 to vector<512x128xf32>
    %select_n3A_61 = arith.select %eq3A_44, %broadcast_in_dim3A_59, %broadcast_in_dim3A_60 : vector<512x128xi1>, vector<512x128xf32>
    %reduce_sum3A_62 = vector.shape_cast %select_n3A_61 : vector<512x128xf32> to vector<1x512x128xf32>
    %reduce_sum3A_63 = arith.constant dense<0.000000e+00> : vector<1xf32>
    %reduce_sum3A_64 = vector.multi_reduction <add>, %reduce_sum3A_62, %reduce_sum3A_63 [1, 2] : vector<1x512x128xf32> to vector<1xf32>
    %reduce_sum3A_65 = vector.shape_cast %reduce_sum3A_64 : vector<1xf32> to vector<1x1x1xf32>
    %reduce_sum3A_66 = vector.extract %reduce_sum3A_65[0, 0, 0] : f32 from vector<1x1x1xf32>
    %add3A_67 = arith.addf %add3A_29, %reduce_sum3A_66 : f32
    %get3A_68 = arith.constant 0 : index
    %get3A_69 = arith.constant 0 : index
    %get3A_70 = arith.constant 0 : index
    %get3A_71 = arith.constant 256 : index
    %get3A_72 = vector.load %arg1[%get3A_68, %get3A_69, %get3A_70, %get3A_71] : memref<1x1x512x512xf32, #tpu.memory_space<vmem>>, vector<1x1x512x128xf32>
    %get3A_73 = vector.shape_cast %get3A_72 : vector<1x1x512x128xf32> to vector<512x128xf32>
    %get3A_74 = arith.constant 0 : index
    %get3A_75 = arith.constant 0 : index
    %get3A_76 = arith.constant 0 : index
    %get3A_77 = arith.constant 256 : index
    %get3A_78 = vector.load %arg2[%get3A_74, %get3A_75, %get3A_76, %get3A_77] : memref<1x1x512x512xi32, #tpu.memory_space<vmem>>, vector<1x1x512x128xi32>
    %get3A_79 = vector.shape_cast %get3A_78 : vector<1x1x512x128xi32> to vector<512x128xi32>
    %eq3A_80 = arith.constant 0 : i32
    %eq3A_81 = vector.broadcast %eq3A_80 : i32 to vector<512x128xi32>
    %eq3A_82 = arith.cmpi eq, %get3A_79, %eq3A_81 : vector<512x128xi32>
    %jit3A_83 = arith.constant 0.000000e+00 : f32
    %broadcast_in_dim3A_84 = vector.broadcast %jit3A_83 : f32 to vector<512x128xf32>
    %select_n3A_85 = arith.select %eq3A_82, %broadcast_in_dim3A_84, %get3A_73 : vector<512x128xi1>, vector<512x128xf32>
    %exp3A_86 = math.exp %get3A_73 : vector<512x128xf32>
    %log1p3A_87 = math.log1p %exp3A_86 : vector<512x128xf32>
    %sub3A_88 = arith.subf %log1p3A_87, %select_n3A_85 : vector<512x128xf32>
    %reduce_sum3A_89 = vector.shape_cast %sub3A_88 : vector<512x128xf32> to vector<1x512x128xf32>
    %reduce_sum3A_90 = arith.constant dense<0.000000e+00> : vector<1xf32>
    %reduce_sum3A_91 = vector.multi_reduction <add>, %reduce_sum3A_89, %reduce_sum3A_90 [1, 2] : vector<1x512x128xf32> to vector<1xf32>
    %reduce_sum3A_92 = vector.shape_cast %reduce_sum3A_91 : vector<1xf32> to vector<1x1x1xf32>
    %reduce_sum3A_93 = vector.extract %reduce_sum3A_92[0, 0, 0] : f32 from vector<1x1x1xf32>
    %add3A_94 = arith.addf %add3A_56, %reduce_sum3A_93 : f32
    %jit3A_95 = arith.constant 0.000000e+00 : f32
    %jit3A_96 = arith.constant 1.000000e+00 : f32
    %broadcast_in_dim3A_97 = vector.broadcast %jit3A_95 : f32 to vector<512x128xf32>
    %broadcast_in_dim3A_98 = vector.broadcast %jit3A_96 : f32 to vector<512x128xf32>
    %select_n3A_99 = arith.select %eq3A_82, %broadcast_in_dim3A_97, %broadcast_in_dim3A_98 : vector<512x128xi1>, vector<512x128xf32>
    %reduce_sum3A_100 = vector.shape_cast %select_n3A_99 : vector<512x128xf32> to vector<1x512x128xf32>
    %reduce_sum3A_101 = arith.constant dense<0.000000e+00> : vector<1xf32>
    %reduce_sum3A_102 = vector.multi_reduction <add>, %reduce_sum3A_100, %reduce_sum3A_101 [1, 2] : vector<1x512x128xf32> to vector<1xf32>
    %reduce_sum3A_103 = vector.shape_cast %reduce_sum3A_102 : vector<1xf32> to vector<1x1x1xf32>
    %reduce_sum3A_104 = vector.extract %reduce_sum3A_103[0, 0, 0] : f32 from vector<1x1x1xf32>
    %add3A_105 = arith.addf %add3A_67, %reduce_sum3A_104 : f32
    %get3A_106 = arith.constant 0 : index
    %get3A_107 = arith.constant 0 : index
    %get3A_108 = arith.constant 0 : index
    %get3A_109 = arith.constant 384 : index
    %get3A_110 = vector.load %arg1[%get3A_106, %get3A_107, %get3A_108, %get3A_109] : memref<1x1x512x512xf32, #tpu.memory_space<vmem>>, vector<1x1x512x128xf32>
    %get3A_111 = vector.shape_cast %get3A_110 : vector<1x1x512x128xf32> to vector<512x128xf32>
    %get3A_112 = arith.constant 0 : index
    %get3A_113 = arith.constant 0 : index
    %get3A_114 = arith.constant 0 : index
    %get3A_115 = arith.constant 384 : index
    %get3A_116 = vector.load %arg2[%get3A_112, %get3A_113, %get3A_114, %get3A_115] : memref<1x1x512x512xi32, #tpu.memory_space<vmem>>, vector<1x1x512x128xi32>
    %get3A_117 = vector.shape_cast %get3A_116 : vector<1x1x512x128xi32> to vector<512x128xi32>
    %eq3A_118 = arith.constant 0 : i32
    %eq3A_119 = vector.broadcast %eq3A_118 : i32 to vector<512x128xi32>
    %eq3A_120 = arith.cmpi eq, %get3A_117, %eq3A_119 : vector<512x128xi32>
    %jit3A_121 = arith.constant 0.000000e+00 : f32
    %broadcast_in_dim3A_122 = vector.broadcast %jit3A_121 : f32 to vector<512x128xf32>
    %select_n3A_123 = arith.select %eq3A_120, %broadcast_in_dim3A_122, %get3A_111 : vector<512x128xi1>, vector<512x128xf32>
    %exp3A_124 = math.exp %get3A_111 : vector<512x128xf32>
    %log1p3A_125 = math.log1p %exp3A_124 : vector<512x128xf32>
    %sub3A_126 = arith.subf %log1p3A_125, %select_n3A_123 : vector<512x128xf32>
    %reduce_sum3A_127 = vector.shape_cast %sub3A_126 : vector<512x128xf32> to vector<1x512x128xf32>
    %reduce_sum3A_128 = arith.constant dense<0.000000e+00> : vector<1xf32>
    %reduce_sum3A_129 = vector.multi_reduction <add>, %reduce_sum3A_127, %reduce_sum3A_128 [1, 2] : vector<1x512x128xf32> to vector<1xf32>
    %reduce_sum3A_130 = vector.shape_cast %reduce_sum3A_129 : vector<1xf32> to vector<1x1x1xf32>
    %reduce_sum3A_131 = vector.extract %reduce_sum3A_130[0, 0, 0] : f32 from vector<1x1x1xf32>
    %add3A_132 = arith.addf %add3A_94, %reduce_sum3A_131 : f32
    %jit3A_133 = arith.constant 0.000000e+00 : f32
    %jit3A_134 = arith.constant 1.000000e+00 : f32
    %broadcast_in_dim3A_135 = vector.broadcast %jit3A_133 : f32 to vector<512x128xf32>
    %broadcast_in_dim3A_136 = vector.broadcast %jit3A_134 : f32 to vector<512x128xf32>
    %select_n3A_137 = arith.select %eq3A_120, %broadcast_in_dim3A_135, %broadcast_in_dim3A_136 : vector<512x128xi1>, vector<512x128xf32>
    %reduce_sum3A_138 = vector.shape_cast %select_n3A_137 : vector<512x128xf32> to vector<1x512x128xf32>
    %reduce_sum3A_139 = arith.constant dense<0.000000e+00> : vector<1xf32>
    %reduce_sum3A_140 = vector.multi_reduction <add>, %reduce_sum3A_138, %reduce_sum3A_139 [1, 2] : vector<1x512x128xf32> to vector<1xf32>
    %reduce_sum3A_141 = vector.shape_cast %reduce_sum3A_140 : vector<1xf32> to vector<1x1x1xf32>
    %reduce_sum3A_142 = vector.extract %reduce_sum3A_141[0, 0, 0] : f32 from vector<1x1x1xf32>
    %add3A_143 = arith.addf %add3A_105, %reduce_sum3A_142 : f32
    %broadcast_in_dim3A_144 = vector.broadcast %add3A_132 : f32 to vector<1x1x128xf32>
    %swap3A = arith.constant 0 : index
    %swap3A_145 = arith.constant 0 : index
    %swap3A_146 = arith.constant 0 : index
    %swap3A_147 = vector.load %arg3[%swap3A, %swap3A_145, %swap3A_146] : memref<1x1x128xf32, #tpu.memory_space<vmem>>, vector<1x1x128xf32>
    tpu.vector_store %arg3[%swap3A, %swap3A_145, %swap3A_146], %broadcast_in_dim3A_144 {strides = array<i32>} : memref<1x1x128xf32, #tpu.memory_space<vmem>>, vector<1x1x128xf32>,
    %broadcast_in_dim3A_148 = vector.broadcast %add3A_143 : f32 to vector<1x1x128xf32>
    %swap3A_149 = arith.constant 0 : index
    %swap3A_150 = arith.constant 0 : index
    %swap3A_151 = arith.constant 0 : index
    %swap3A_152 = vector.load %arg4[%swap3A_149, %swap3A_150, %swap3A_151] : memref<1x1x128xf32, #tpu.memory_space<vmem>>, vector<1x1x128xf32>
    tpu.vector_store %arg4[%swap3A_149, %swap3A_150, %swap3A_151], %broadcast_in_dim3A_148 {strides = array<i32>} : memref<1x1x128xf32, #tpu.memory_space<vmem>>, vector<1x1x128xf32>,
    return
  }
  func.func @transform_0(%arg0: i32) -> (i32, i32, i32, i32) {
    %c0_i32 = arith.constant 0 : i32
    %c0_i32_0 = arith.constant 0 : i32
    %c0_i32_1 = arith.constant 0 : i32
    %c0_i32_2 = arith.constant 0 : i32
    return %arg0, %c0_i32, %c0_i32_0, %c0_i32_1 : i32, i32, i32, i32
  }
  func.func @transform_1(%arg0: i32) -> (i32, i32, i32, i32) {
    %c0_i32 = arith.constant 0 : i32
    %c0_i32_0 = arith.constant 0 : i32
    %c0_i32_1 = arith.constant 0 : i32
    %c0_i32_2 = arith.constant 0 : i32
    return %arg0, %c0_i32, %c0_i32_0, %c0_i32_1 : i32, i32, i32, i32
  }
  func.func @transform_2(%arg0: i32) -> (i32, i32, i32) {
    %c0_i32 = arith.constant 0 : i32
    %c0_i32_0 = arith.constant 0 : i32
    %c0_i32_1 = arith.constant 0 : i32
    return %arg0, %c0_i32, %c0_i32_0 : i32, i32, i32
  }
  func.func @transform_3(%arg0: i32) -> (i32, i32, i32) {
    %c0_i32 = arith.constant 0 : i32
    %c0_i32_0 = arith.constant 0 : i32
    %c0_i32_1 = arith.constant 0 : i32
    return %arg0, %c0_i32, %c0_i32_0 : i32, i32, i32
  }
}

module attributes {stable_mosaic.version = 14 : i64} {
  func.func @_tc_pre_body(%arg0: i32, %arg1: memref<1x1x512x512xf32, #tpu.memory_space<vmem>>, %arg2: memref<1x1x512x512xi32, #tpu.memory_space<vmem>>, %arg3: memref<1024x128xi32, #tpu.memory_space<vmem>>) attributes {dimension_semantics = [#tpu.dimension_semantics<arbitrary>], iteration_bounds = array<i64: 8>, scalar_prefetch = 0 : i64, scratch_operands = 0 : i64, tpu.core_type = #tpu.core_type<tc>, window_params = [{transform_indices = @transform_0, window_bounds = array<i64: 1, 1, 512, 512>}, {transform_indices = @transform_1, window_bounds = array<i64: 1, 1, 512, 512>}, {transform_indices = @transform_2, window_bounds = array<i64: 1024, 128>}]} {
    %get3A = arith.constant 0 : index
    %get3A_0 = arith.constant 0 : index
    %get3A_1 = arith.constant 0 : index
    %get3A_2 = arith.constant 0 : index
    %get3A_3 = vector.load %arg1[%get3A, %get3A_0, %get3A_1, %get3A_2] : memref<1x1x512x512xf32, #tpu.memory_space<vmem>>, vector<1x1x512x128xf32>
    %get3A_4 = vector.shape_cast %get3A_3 : vector<1x1x512x128xf32> to vector<512x128xf32>
    %get3A_5 = arith.constant 0 : index
    %get3A_6 = arith.constant 0 : index
    %get3A_7 = arith.constant 0 : index
    %get3A_8 = arith.constant 0 : index
    %get3A_9 = vector.load %arg2[%get3A_5, %get3A_6, %get3A_7, %get3A_8] : memref<1x1x512x512xi32, #tpu.memory_space<vmem>>, vector<1x1x512x128xi32>
    %get3A_10 = vector.shape_cast %get3A_9 : vector<1x1x512x128xi32> to vector<512x128xi32>
    %eq3A = arith.constant 0 : i32
    %eq3A_11 = vector.broadcast %eq3A : i32 to vector<512x128xi32>
    %eq3A_12 = arith.cmpi eq, %get3A_10, %eq3A_11 : vector<512x128xi32>
    %jit3A = arith.constant 2.558750e+02 : f32
    %jit3A_13 = arith.constant -2.558750e+02 : f32
    %broadcast_in_dim3A = vector.broadcast %jit3A : f32 to vector<512x128xf32>
    %broadcast_in_dim3A_14 = vector.broadcast %jit3A_13 : f32 to vector<512x128xf32>
    %select_n3A = arith.select %eq3A_12, %broadcast_in_dim3A, %broadcast_in_dim3A_14 : vector<512x128xi1>, vector<512x128xf32>
    %mul3A = arith.mulf %select_n3A, %get3A_4 : vector<512x128xf32>
    %add3A = arith.constant 2.568750e+02 : f32
    %add3A_15 = vector.broadcast %add3A : f32 to vector<512x128xf32>
    %add3A_16 = arith.addf %add3A_15, %mul3A : vector<512x128xf32>
    %convert_element_type3A = arith.fptosi %add3A_16 : vector<512x128xf32> to vector<512x128xi32>
    %min3A = arith.constant 2047 : i32
    %min3A_17 = vector.broadcast %min3A : i32 to vector<512x128xi32>
    %min3A_18 = arith.minsi %convert_element_type3A, %min3A_17 : vector<512x128xi32>
    %max3A = arith.constant 0 : i32
    %max3A_19 = vector.broadcast %max3A : i32 to vector<512x128xi32>
    %max3A_20 = arith.maxsi %min3A_18, %max3A_19 : vector<512x128xi32>
    %jit3A_21 = arith.constant 2048 : i32
    %jit3A_22 = arith.constant 0 : i32
    %broadcast_in_dim3A_23 = vector.broadcast %jit3A_21 : i32 to vector<512x128xi32>
    %broadcast_in_dim3A_24 = vector.broadcast %jit3A_22 : i32 to vector<512x128xi32>
    %select_n3A_25 = arith.select %eq3A_12, %broadcast_in_dim3A_23, %broadcast_in_dim3A_24 : vector<512x128xi1>, vector<512x128xi32>
    %or3A = arith.ori %max3A_20, %select_n3A_25 : vector<512x128xi32>
    %get3A_26 = arith.constant 0 : index
    %get3A_27 = arith.constant 0 : index
    %get3A_28 = arith.constant 0 : index
    %get3A_29 = arith.constant 128 : index
    %get3A_30 = vector.load %arg1[%get3A_26, %get3A_27, %get3A_28, %get3A_29] : memref<1x1x512x512xf32, #tpu.memory_space<vmem>>, vector<1x1x512x128xf32>
    %get3A_31 = vector.shape_cast %get3A_30 : vector<1x1x512x128xf32> to vector<512x128xf32>
    %get3A_32 = arith.constant 0 : index
    %get3A_33 = arith.constant 0 : index
    %get3A_34 = arith.constant 0 : index
    %get3A_35 = arith.constant 128 : index
    %get3A_36 = vector.load %arg2[%get3A_32, %get3A_33, %get3A_34, %get3A_35] : memref<1x1x512x512xi32, #tpu.memory_space<vmem>>, vector<1x1x512x128xi32>
    %get3A_37 = vector.shape_cast %get3A_36 : vector<1x1x512x128xi32> to vector<512x128xi32>
    %eq3A_38 = arith.constant 0 : i32
    %eq3A_39 = vector.broadcast %eq3A_38 : i32 to vector<512x128xi32>
    %eq3A_40 = arith.cmpi eq, %get3A_37, %eq3A_39 : vector<512x128xi32>
    %jit3A_41 = arith.constant 2.558750e+02 : f32
    %jit3A_42 = arith.constant -2.558750e+02 : f32
    %broadcast_in_dim3A_43 = vector.broadcast %jit3A_41 : f32 to vector<512x128xf32>
    %broadcast_in_dim3A_44 = vector.broadcast %jit3A_42 : f32 to vector<512x128xf32>
    %select_n3A_45 = arith.select %eq3A_40, %broadcast_in_dim3A_43, %broadcast_in_dim3A_44 : vector<512x128xi1>, vector<512x128xf32>
    %mul3A_46 = arith.mulf %select_n3A_45, %get3A_31 : vector<512x128xf32>
    %add3A_47 = arith.constant 2.568750e+02 : f32
    %add3A_48 = vector.broadcast %add3A_47 : f32 to vector<512x128xf32>
    %add3A_49 = arith.addf %add3A_48, %mul3A_46 : vector<512x128xf32>
    %convert_element_type3A_50 = arith.fptosi %add3A_49 : vector<512x128xf32> to vector<512x128xi32>
    %min3A_51 = arith.constant 2047 : i32
    %min3A_52 = vector.broadcast %min3A_51 : i32 to vector<512x128xi32>
    %min3A_53 = arith.minsi %convert_element_type3A_50, %min3A_52 : vector<512x128xi32>
    %max3A_54 = arith.constant 0 : i32
    %max3A_55 = vector.broadcast %max3A_54 : i32 to vector<512x128xi32>
    %max3A_56 = arith.maxsi %min3A_53, %max3A_55 : vector<512x128xi32>
    %jit3A_57 = arith.constant 2048 : i32
    %jit3A_58 = arith.constant 0 : i32
    %broadcast_in_dim3A_59 = vector.broadcast %jit3A_57 : i32 to vector<512x128xi32>
    %broadcast_in_dim3A_60 = vector.broadcast %jit3A_58 : i32 to vector<512x128xi32>
    %select_n3A_61 = arith.select %eq3A_40, %broadcast_in_dim3A_59, %broadcast_in_dim3A_60 : vector<512x128xi1>, vector<512x128xi32>
    %or3A_62 = arith.ori %max3A_56, %select_n3A_61 : vector<512x128xi32>
    %shift_left3A = arith.constant 16 : i32
    %shift_left3A_63 = vector.broadcast %shift_left3A : i32 to vector<512x128xi32>
    %shift_left3A_64 = arith.shli %or3A_62, %shift_left3A_63 : vector<512x128xi32>
    %or3A_65 = arith.ori %or3A, %shift_left3A_64 : vector<512x128xi32>
    %swap3A = arith.constant 0 : index
    %swap3A_66 = arith.constant 0 : index
    %swap3A_67 = vector.load %arg3[%swap3A, %swap3A_66] : memref<1024x128xi32, #tpu.memory_space<vmem>>, vector<512x128xi32>
    tpu.vector_store %arg3[%swap3A, %swap3A_66], %or3A_65 {strides = array<i32>} : memref<1024x128xi32, #tpu.memory_space<vmem>>, vector<512x128xi32>,
    %get3A_68 = arith.constant 0 : index
    %get3A_69 = arith.constant 0 : index
    %get3A_70 = arith.constant 0 : index
    %get3A_71 = arith.constant 256 : index
    %get3A_72 = vector.load %arg1[%get3A_68, %get3A_69, %get3A_70, %get3A_71] : memref<1x1x512x512xf32, #tpu.memory_space<vmem>>, vector<1x1x512x128xf32>
    %get3A_73 = vector.shape_cast %get3A_72 : vector<1x1x512x128xf32> to vector<512x128xf32>
    %get3A_74 = arith.constant 0 : index
    %get3A_75 = arith.constant 0 : index
    %get3A_76 = arith.constant 0 : index
    %get3A_77 = arith.constant 256 : index
    %get3A_78 = vector.load %arg2[%get3A_74, %get3A_75, %get3A_76, %get3A_77] : memref<1x1x512x512xi32, #tpu.memory_space<vmem>>, vector<1x1x512x128xi32>
    %get3A_79 = vector.shape_cast %get3A_78 : vector<1x1x512x128xi32> to vector<512x128xi32>
    %eq3A_80 = arith.constant 0 : i32
    %eq3A_81 = vector.broadcast %eq3A_80 : i32 to vector<512x128xi32>
    %eq3A_82 = arith.cmpi eq, %get3A_79, %eq3A_81 : vector<512x128xi32>
    %jit3A_83 = arith.constant 2.558750e+02 : f32
    %jit3A_84 = arith.constant -2.558750e+02 : f32
    %broadcast_in_dim3A_85 = vector.broadcast %jit3A_83 : f32 to vector<512x128xf32>
    %broadcast_in_dim3A_86 = vector.broadcast %jit3A_84 : f32 to vector<512x128xf32>
    %select_n3A_87 = arith.select %eq3A_82, %broadcast_in_dim3A_85, %broadcast_in_dim3A_86 : vector<512x128xi1>, vector<512x128xf32>
    %mul3A_88 = arith.mulf %select_n3A_87, %get3A_73 : vector<512x128xf32>
    %add3A_89 = arith.constant 2.568750e+02 : f32
    %add3A_90 = vector.broadcast %add3A_89 : f32 to vector<512x128xf32>
    %add3A_91 = arith.addf %add3A_90, %mul3A_88 : vector<512x128xf32>
    %convert_element_type3A_92 = arith.fptosi %add3A_91 : vector<512x128xf32> to vector<512x128xi32>
    %min3A_93 = arith.constant 2047 : i32
    %min3A_94 = vector.broadcast %min3A_93 : i32 to vector<512x128xi32>
    %min3A_95 = arith.minsi %convert_element_type3A_92, %min3A_94 : vector<512x128xi32>
    %max3A_96 = arith.constant 0 : i32
    %max3A_97 = vector.broadcast %max3A_96 : i32 to vector<512x128xi32>
    %max3A_98 = arith.maxsi %min3A_95, %max3A_97 : vector<512x128xi32>
    %jit3A_99 = arith.constant 2048 : i32
    %jit3A_100 = arith.constant 0 : i32
    %broadcast_in_dim3A_101 = vector.broadcast %jit3A_99 : i32 to vector<512x128xi32>
    %broadcast_in_dim3A_102 = vector.broadcast %jit3A_100 : i32 to vector<512x128xi32>
    %select_n3A_103 = arith.select %eq3A_82, %broadcast_in_dim3A_101, %broadcast_in_dim3A_102 : vector<512x128xi1>, vector<512x128xi32>
    %or3A_104 = arith.ori %max3A_98, %select_n3A_103 : vector<512x128xi32>
    %get3A_105 = arith.constant 0 : index
    %get3A_106 = arith.constant 0 : index
    %get3A_107 = arith.constant 0 : index
    %get3A_108 = arith.constant 384 : index
    %get3A_109 = vector.load %arg1[%get3A_105, %get3A_106, %get3A_107, %get3A_108] : memref<1x1x512x512xf32, #tpu.memory_space<vmem>>, vector<1x1x512x128xf32>
    %get3A_110 = vector.shape_cast %get3A_109 : vector<1x1x512x128xf32> to vector<512x128xf32>
    %get3A_111 = arith.constant 0 : index
    %get3A_112 = arith.constant 0 : index
    %get3A_113 = arith.constant 0 : index
    %get3A_114 = arith.constant 384 : index
    %get3A_115 = vector.load %arg2[%get3A_111, %get3A_112, %get3A_113, %get3A_114] : memref<1x1x512x512xi32, #tpu.memory_space<vmem>>, vector<1x1x512x128xi32>
    %get3A_116 = vector.shape_cast %get3A_115 : vector<1x1x512x128xi32> to vector<512x128xi32>
    %eq3A_117 = arith.constant 0 : i32
    %eq3A_118 = vector.broadcast %eq3A_117 : i32 to vector<512x128xi32>
    %eq3A_119 = arith.cmpi eq, %get3A_116, %eq3A_118 : vector<512x128xi32>
    %jit3A_120 = arith.constant 2.558750e+02 : f32
    %jit3A_121 = arith.constant -2.558750e+02 : f32
    %broadcast_in_dim3A_122 = vector.broadcast %jit3A_120 : f32 to vector<512x128xf32>
    %broadcast_in_dim3A_123 = vector.broadcast %jit3A_121 : f32 to vector<512x128xf32>
    %select_n3A_124 = arith.select %eq3A_119, %broadcast_in_dim3A_122, %broadcast_in_dim3A_123 : vector<512x128xi1>, vector<512x128xf32>
    %mul3A_125 = arith.mulf %select_n3A_124, %get3A_110 : vector<512x128xf32>
    %add3A_126 = arith.constant 2.568750e+02 : f32
    %add3A_127 = vector.broadcast %add3A_126 : f32 to vector<512x128xf32>
    %add3A_128 = arith.addf %add3A_127, %mul3A_125 : vector<512x128xf32>
    %convert_element_type3A_129 = arith.fptosi %add3A_128 : vector<512x128xf32> to vector<512x128xi32>
    %min3A_130 = arith.constant 2047 : i32
    %min3A_131 = vector.broadcast %min3A_130 : i32 to vector<512x128xi32>
    %min3A_132 = arith.minsi %convert_element_type3A_129, %min3A_131 : vector<512x128xi32>
    %max3A_133 = arith.constant 0 : i32
    %max3A_134 = vector.broadcast %max3A_133 : i32 to vector<512x128xi32>
    %max3A_135 = arith.maxsi %min3A_132, %max3A_134 : vector<512x128xi32>
    %jit3A_136 = arith.constant 2048 : i32
    %jit3A_137 = arith.constant 0 : i32
    %broadcast_in_dim3A_138 = vector.broadcast %jit3A_136 : i32 to vector<512x128xi32>
    %broadcast_in_dim3A_139 = vector.broadcast %jit3A_137 : i32 to vector<512x128xi32>
    %select_n3A_140 = arith.select %eq3A_119, %broadcast_in_dim3A_138, %broadcast_in_dim3A_139 : vector<512x128xi1>, vector<512x128xi32>
    %or3A_141 = arith.ori %max3A_135, %select_n3A_140 : vector<512x128xi32>
    %shift_left3A_142 = arith.constant 16 : i32
    %shift_left3A_143 = vector.broadcast %shift_left3A_142 : i32 to vector<512x128xi32>
    %shift_left3A_144 = arith.shli %or3A_141, %shift_left3A_143 : vector<512x128xi32>
    %or3A_145 = arith.ori %or3A_104, %shift_left3A_144 : vector<512x128xi32>
    %swap3A_146 = arith.constant 512 : index
    %swap3A_147 = arith.constant 0 : index
    %swap3A_148 = vector.load %arg3[%swap3A_146, %swap3A_147] : memref<1024x128xi32, #tpu.memory_space<vmem>>, vector<512x128xi32>
    tpu.vector_store %arg3[%swap3A_146, %swap3A_147], %or3A_145 {strides = array<i32>} : memref<1024x128xi32, #tpu.memory_space<vmem>>, vector<512x128xi32>,
    return
  }
  func.func @transform_0(%arg0: i32) -> (i32, i32, i32, i32) {
    %c0_i32 = arith.constant 0 : i32
    %c0_i32_0 = arith.constant 0 : i32
    %c0_i32_1 = arith.constant 0 : i32
    %c0_i32_2 = arith.constant 0 : i32
    return %arg0, %c0_i32, %c0_i32_0, %c0_i32_1 : i32, i32, i32, i32
  }
  func.func @transform_1(%arg0: i32) -> (i32, i32, i32, i32) {
    %c0_i32 = arith.constant 0 : i32
    %c0_i32_0 = arith.constant 0 : i32
    %c0_i32_1 = arith.constant 0 : i32
    %c0_i32_2 = arith.constant 0 : i32
    return %arg0, %c0_i32, %c0_i32_0, %c0_i32_1 : i32, i32, i32, i32
  }
  func.func @transform_2(%arg0: i32) -> (i32, i32) {
    %c0_i32 = arith.constant 0 : i32
    %c0_i32_0 = arith.constant 0 : i32
    return %arg0, %c0_i32 : i32, i32
  }
}

</mosaic_0001>

<sc_bundles>
// kernel: kernel.6.cloned.1.call-start
scs
__scs_entry_jumppad:
0x0: {  	(pc) =	sbr.rel $0x88, $3  }
0x1: {  	(tag) =	ssettag $0x0;
	lr =	simm.s32 $0x1  }
0x2: {  	[smem:$0x3F9F] =	sst lr;
	_ =	strace $0xD0000000  }
0x3: {  	_ = 	snop  }
0x4: {  	_ = 	snop  }
0x5: {  	_ = 	snop  }
0x6: {  	_ = 	snop  }
0x7: {  	_ = 	snop  }
__scs_overlays_trampoline_lowered:
0x8: {  	[smem:$0x3FAE] =	sst s0  }
0x9: {  	[smem:$0x3FAF] =	sst s1  }
0xa: {  	[smem:$0x3FB0] =	sst s2  }
0xb: {  	[smem:$0x3FB1] =	sst s3  }
0xc: {  	[smem:$0x3FB2] =	sst s4  }
0xd: {  	[smem:$0x3FB3] =	sst s5  }
0xe: {  	[smem:$0x3FB4] =	sst s6  }
0xf: {  	[smem:$0x3FB5] =	sst s7  }
0x10: {  	[smem:$0x3FB6] =	sst s8  }
0x11: {  	[smem:$0x3FB7] =	sst s9;
	s0 =	simm.s32 @!p0 $0x0  }
0x12: {  	s1 =	sld [smem:$0x3F9D];
	s0 =	simm.s32 @p0 $0x1  }
0x13: {  	[smem:$0x3FB8] =	sst s0;
	s0 =	simm.s32 @!p1 $0x0  }
0x14: {  	s2 =	sld [smem:$0x3F9C];
	s0 =	simm.s32 @p1 $0x1  }
0x15: {  	[smem:$0x3FB9] =	sst s0;
	s0 =	simm.s32 @!p2 $0x0  }
0x16: {  	s3 =	sld [smem:$0x3FDB];
	s0 =	simm.s32 @p2 $0x1  }
0x17: {  	s4 =	simm.s32 $0x1BF5;
	[smem:$0x3FBB] =	sst s0  }
0x18: {  	s0 =	sld [smem:$0x3F9E];
	_ =	swait.ge [sflag:s4], $0x0  }
0x19: {  	s7 =	sld [smem:$0x3F9F]  }
0x1a: {  	s8 =	sadd.s32 $0xFFFFE003, lr  }
0x1b: {  	s9 =	sadd.s32 $0xFFFFFEF7, lr;
	s5 =	simm.s32 $0xFFFFFFFF;
	p2 =	slt.u32 s8, $0xFFFFF086  }
0x1c: {  	p1 =	slt.u32 s9, $0xF7A;
	s5 =	simm.s32 @!p2 $0x0  }
0x1d: {  	s5 =	simm.s32 @p1 $0x1;
	p0 =	seq.s32 s7, s2  }
0x1e: {  	s7 =	smul.u32 @!p0 $0xF7A, s2;
	p2 =	seq.s32 @!p0 s5, $0x0  }
0x1f: {  	s9 =	smul.u32 $0xF7A, s1;
	s8 =	simm.s32 @!p0 $0x1BF5;
	p2 =	por !p2, p0  }
0x20: {  	[sflag:s8] =	ssyncset.s32 @!p0 $0xFFFFF086;
	s6 =	sadd.s32 @!p0 s3, s7;
	s7 =	simm.s32 @!p0 $0x108  }
0x21: {  	s3 =	sadd.s32 s3, s9;
	s6 =	sadd.s32 @!p0 $0x88, s6;
	s7 =	simm.s32 @p2 $0x1082  }
0x22: {  	[simem:s7], [sflag:s8] =	dma.local @!p0 [hbm:s6], $0xF7A  }
0x23: {  	s9 =	sor.u32 $0xD0000000, s2;
	s6 =	simm.s32 $0x108;
	_ =	swait.ge @!p0 [sflag:s8], $0x0  }
0x24: {  	s3 =	sadd.s32 $0x88, s3;
	s6 =	simm.s32 @!p1 $0x1082;
	[sflag:s4] =	ssyncset.s32 $0xFFFFF086  }
0x25: {  	[simem:s6], [sflag:s4] =	dma.local [hbm:s3], $0xF7A  }
0x26: {  	[smem:$0x3F9F] =	sst s1;
	(tag) =	ssettag s2;
	_ =	strace s9  }
0x27: {  	s1 =	sld [smem:$0x3FAF]  }
0x28: {  	s2 =	sld [smem:$0x3FB0]  }
0x29: {  	s4 =	sld [smem:$0x3FB2]  }
0x2a: {  	p0 =	seq.s32 s5, $0x0;
	s5 =	sld [smem:$0x3FB3]  }
0x2b: {  	s6 =	sld [smem:$0x3FB4]  }
0x2c: {  	s7 =	sld [smem:$0x3FB5]  }
0x2d: {  	s3 =	simm.s32 $0x108;
	s8 =	sld [smem:$0x3FB6]  }
0x2e: {  	s3 =	simm.s32 @!p0 $0x1082;
	s9 =	sld [smem:$0x3FB7]  }
0x2f: {  	lr =	sadd.s32 s0, s3;
	s0 =	sld [smem:$0x3FAE]  }
0x30: {  	s3 =	sld [smem:$0x3FB1]  }
0x31: {  	[smem:$0x3FBA] =	sst s10  }
0x32: {  	s10 =	sld [smem:$0x3FB8];
	_ =	sdelay $0x3  }
0x33: {  	p0 =	seq.s32 s10, $0x1;
	s10 =	sld [smem:$0x3FBA];
	_ =	sdelay $0x3  }
0x34: {  	[smem:$0x3FBA] =	sst s10  }
0x35: {  	s10 =	sld [smem:$0x3FB9];
	_ =	sdelay $0x3  }
0x36: {  	p1 =	seq.s32 s10, $0x1;
	s10 =	sld [smem:$0x3FBA];
	_ =	sdelay $0x3  }
0x37: {  	[smem:$0x3FBA] =	sst s10  }
0x38: {  	s10 =	sld [smem:$0x3FBB]  }
0x39: {  	_ = 	snop;
	(pc) =	sbr.ind lr, $3  }
0x3a: {  	_ = 	snop  }
0x3b: {  	_ = 	snop  }
0x3c: {  	p2 =	seq.s32 s10, $0x1;
	s10 =	sld [smem:$0x3FBA]  }
0x3d: {  	_ =	shalt  }
0x3e: {  	_ =	shalt  }
0x3f: {  	_ =	shalt  }
0x40: {  	_ =	shalt  }
0x41: {  	_ =	shalt  }
0x42: {  	_ =	shalt  }
0x43: {  	_ =	shalt  }
0x44: {  	_ =	shalt  }
0x45: {  	_ =	shalt  }
0x46: {  	_ =	shalt  }
0x47: {  	_ =	shalt  }
0x48: {  	_ =	shalt  }
0x49: {  	_ =	shalt  }
0x4a: {  	_ =	shalt  }
0x4b: {  	_ =	shalt  }
0x4c: {  	_ =	shalt  }
0x4d: {  	_ =	shalt  }
0x4e: {  	_ =	shalt  }
0x4f: {  	_ =	shalt  }
0x50: {  	_ =	shalt  }
0x51: {  	_ =	shalt  }
0x52: {  	_ =	shalt  }
0x53: {  	_ =	shalt  }
0x54: {  	_ =	shalt  }
0x55: {  	_ =	shalt  }
0x56: {  	_ =	shalt  }
0x57: {  	_ =	shalt  }
0x58: {  	_ =	shalt  }
0x59: {  	_ =	shalt  }
0x5a: {  	_ =	shalt  }
0x5b: {  	_ =	shalt  }
0x5c: {  	_ =	shalt  }
0x5d: {  	_ =	shalt  }
0x5e: {  	_ =	shalt  }
0x5f: {  	_ =	shalt  }
0x60: {  	_ =	shalt  }
0x61: {  	_ =	shalt  }
0x62: {  	_ =	shalt  }
0x63: {  	_ =	shalt  }
0x64: {  	_ =	shalt  }
0x65: {  	_ =	shalt  }
0x66: {  	_ =	shalt  }
0x67: {  	_ =	shalt  }
0x68: {  	_ =	shalt  }
0x69: {  	_ =	shalt  }
0x6a: {  	_ =	shalt  }
0x6b: {  	_ =	shalt  }
0x6c: {  	_ =	shalt  }
0x6d: {  	_ =	shalt  }
0x6e: {  	_ =	shalt  }
0x6f: {  	_ =	shalt  }
0x70: {  	_ =	shalt  }
0x71: {  	_ =	shalt  }
0x72: {  	_ =	shalt  }
0x73: {  	_ =	shalt  }
0x74: {  	_ =	shalt  }
0x75: {  	_ =	shalt  }
0x76: {  	_ =	shalt  }
0x77: {  	_ =	shalt  }
0x78: {  	_ =	shalt  }
0x79: {  	_ =	shalt  }
0x7a: {  	_ =	shalt  }
0x7b: {  	_ =	shalt  }
0x7c: {  	_ =	shalt  }
0x7d: {  	_ =	shalt  }
0x7e: {  	_ =	shalt  }
0x7f: {  	_ =	shalt  }
0x80: {  	_ =	shalt  }
0x81: {  	_ =	shalt  }
0x82: {  	_ =	shalt  }
0x83: {  	_ =	shalt  }
0x84: {  	_ =	shalt  }
0x85: {  	_ =	shalt  }
0x86: {  	_ =	shalt  }
0x87: {  	_ =	shalt  }
.Lfunc_end0:
.L_simem_size_0:
called_computation_lowered:
.L_overlay_start_0:
0x88: {  	s2 =	sld [smem:$0x3FD9]  }
0x89: {  	s3 =	sld [smem:$0x3FFE];
	_ =	sdelay $0x1  }
0x8a: {  	s1 =	srdreg.scid  }
0x8b: {  	s0 =	sand.u32 $0x1, s1  }
0x8c: {  	s16 =	sshll.u32 s0, $0xA;
	s2 =	sadd.s32 s3, s2  }
0x8d: {  	s2 =	sadd.s32 s2, s16  }
0x8e: {  	[smem:$0x3FC6] =	sst s2  }
0x8f: {  	_ = 	snop  }
0x90: {  	(tm) =	ssettm $0x1  }
0x91: {  	s17 =	sld [smem:$0x3FFB];
	_ =	sdelay $0x3  }
0x92: {  	_ =	strace s17  }
0x93: {  	s2 =	sld [smem:$0x3FFC];
	_ =	sdelay $0x3  }
0x94: {  	_ =	strace s2  }
0x95: {  	s2 =	sld [smem:$0x3FFD];
	_ =	sdelay $0x3  }
0x96: {  	_ =	strace s2  }
0x97: {  	_ =	strace $0x8FFFFFFF  }
0x98: {  	s18 =	sld [smem:$0x3FDB];
	_ =	sdelay $0x1  }
0x99: {  	s19 =	simm.s32 $_scs_section_size  }
0x9a: {  	s4 =	simm.s32 $_size__tile_overlayer_lowered;
	s5 =	simm.s32 $_tile_overlayer_lowered  }
0x9b: {  	s22 =	simm.s32 $0x1BFF;
	s21 =	sshll.u32 s5, $0x1;
	s2 =	sadd.s32 s19, s18  }
0x9c: {  	s6 =	simm.s32 $0x0;
	s20 =	sshll.u32 s4, $0x1;
	s4 =	sadd.s32 s21, s2  }
0x9d: {  	[timem:s6], [sflag:s22] =	dma.local [hbm:s4], s20  }
0x9e: {  	_ =	swait.ge [sflag:s22], s20  }
0x9f: {  	s3 =	ssub.s32 $0x0, s20;
	[sflag:s22] =	ssyncset.done $0x0  }
0xa0: {  	[sflag:s22] =	ssyncadd.s32 s3;
	_ =	sdelay $0x1  }
0xa1: {  	s23 =	simm.s32 $0x1B8B  }
0xa2: {  	_ =	swait.ge [sflag:s23], $0x1  }
0xa3: {  	[sflag:s23] =	ssyncset.done $0x0  }
0xa4: {  	s25 =	simm.s32 $0x1B8E;
	s24 =	sld [smem:$0x3FFE];
	[sflag:s23] =	ssyncadd.s32 $0xFFFFFFFF  }
0xa5: {  	s26 =	simm.s32 $execute0_lowered;
	[smem:$0x3FD2] =	sst s25  }
0xa6: {  	s4 =	sshll.u32 s26, $0x1;
	_ =	strace $0x80000046;
	[dreg:$0x1] =	wrdreg $0xFFFFFFFF  }
0xa7: {  	s28 =	simm.s32 $_size_execute0_lowered;
	s2 =	sadd.s32 s2, s4;
	[dreg:$0x0] =	wrdreg $0x0  }
0xa8: {  	s4 =	sshll.u32 s28, $0x1;
	[dreg:$0x2] =	wrdreg s2  }
0xa9: {  	[dreg:$0x3] =	wrdreg s4  }
0xaa: {  	[dreg:$0x4] =	wrdreg $0xC0  }
0xab: {  	_ =	task [dreg:s6], $0x5FFFF  }
0xac: {  	[dreg:$0x1] =	wrdreg $0xFFFFFFFF  }
0xad: {  	[dreg:$0x0] =	wrdreg $0x60  }
0xae: {  	[dreg:$0x2] =	wrdreg s24  }
0xaf: {  	[dreg:$0x3] =	wrdreg $0x9  }
0xb0: {  	_ =	task.clear_ibuf [dreg:s6], $0x4FFFF;
	_ =	strace $0x90000046  }
0xb1: {  	s29 =	simm.s32 $0x9;
	_ =	strace $0x80000048  }
0xb2: {  	_ =	swait.ge [sflag:s29], $0x1  }
0xb3: {  	[sflag:s29] =	ssyncadd.s32 $0xFFFFFFFF  }
0xb4: {  	_ =	strace $0x90000048  }
0xb5: {  	_ =	sfence  }
0xb6: {  	s30 =	sld [smem:$0x0];
	_ =	sdelay $0x2  }
0xb7: {  	s31 =	sshll.u32 s1, $0xD;
	s1 =	sshrl.u32 s1, $0x2  }
0xb8: {  	s3 =	sand.u32 $0x4000, s31;
	s1 =	sadd.s32 s1, s30  }
0xb9: {  	s0 =	sor.u32 s3, s0;
	s1 =	sshll.u32 s1, $0x11  }
0xba: {  	s0 =	sor.u32 s1, s0  }
0xbb: {  	s0 =	sadd.s32 $0x8F2B, s0  }
0xbc: {  	[sflag:s0] =	ssyncadd.remote.s32 $0x1  }
0xbd: {  	_ =	sfence.sel $0xFFFF  }
0xbe: {  	[dreg:$0x0] =	wrdreg $0xFFFFFFFF;
	(pc) =	sbr.abs _section_cstart, $3  }
0xbf: {  	[dreg:$0x1] =	wrdreg $0xFFFFFFFF  }
0xc0: {  	_ =	task.clear_ibuf [dreg:s6], $0x2FFFF;
	_ =	strace $0x9FFFFFFF  }
0xc1: {  	(tm) =	ssettm $0x7FFFFFFF  }
tec
execute0_lowered:
.L_overlay_start_1:
0x0: {  	(tag) =	ssettag $0x1  }
0x1: {  	s3 =	rddreg [dreg:$0x0]  }
0x2: {  	s0 =	rddreg [dreg:$0x1];
	s4 =	srdreg.scid  }
0x3: {  	s1 =	stileid.u32;
	s2 =	simm.s32 $0x0;
	s8 =	simm.s32 $0x1  }
0x4: {  	s9 =	simm.s32 $0xC800;
	s10 =	simm.s32 $0x8000;
	s11 =	simm.s32 $0x2  }
0x5: {  	s4 =	sand.u32 $0x1, s4;
	s5 =	sshll.u32 s1, $0x1;
	[smem:$0x7FF] =	sst s2  }
0x6: {  	s12 =	simm.s32 $0x0;
	s5 =	sor.u32 s4, s5;
	_ =	strace $0x80000047  }
0x7: {  	s4 =	ssub.s32 $0x2, s4;
	s6 =	sshll.u32 s5, $0xC;
	s5 =	sshll.u32 s5, $0x8  }
0x8: {  	s7 =	sshrl.u32 s4, $0x1;
	s6 =	sadd.s32 s6, s3;
	s5 =	sadd.s32 s5, s3  }
0x9: {  	v1 =	vlaneseq.u32;
	s7 =	ssub.s32 s4, s7;
	s3 =	sadd.s32 $0x1200, s6;
	s4 =	sadd.s32 $0x1A00, s6  }
0xa: {  	v0 =	vimm.s32 $0x0;
	v1 =	vmul.u32 $0x800, v1;
	s5 =	sadd.s32 $0x21200, s5;
	s6 =	smax.u32 s7, $0x1;
	s7 =	simm.s32 $0x8800  }
.LBB2_1:
0xb: {  	[tilespmem:s7], [sflag:$0x1] =	stream.linear.gather [hbm4b:s3+s2], $0x4000, $0x38;
	[tilespmem:$0x10800] =	vst v63  }
0xc: {  	s13 =	simm.s32 $0x0;
	s14 =	simm.s32 $0x400  }
.LBB2_2:
0xd: {  	p0 =	sne.s32 s14, $0x1FC00;
	[tilespmem:s13+$0xF0] =	vst v0  }
0xe: {  	[tilespmem:s13+$0x0] =	vst v0  }
0xf: {  	[tilespmem:s13+$0x10] =	vst v0  }
0x10: {  	[tilespmem:s13+$0x20] =	vst v0  }
0x11: {  	[tilespmem:s13+$0x30] =	vst v0  }
0x12: {  	[tilespmem:s13+$0x40] =	vst v0  }
0x13: {  	[tilespmem:s13+$0x50] =	vst v0  }
0x14: {  	[tilespmem:s13+$0x60] =	vst v0  }
0x15: {  	[tilespmem:s13+$0x70] =	vst v0  }
0x16: {  	[tilespmem:s13+$0x80] =	vst v0  }
0x17: {  	[tilespmem:s13+$0x90] =	vst v0  }
.Ltmp0:
0x18: {  	[tilespmem:s13+$0xA0] =	vst v0;
	(pc) =	sbr.rel @p0 .LBB2_2-.Ltmp0, $4  }
0x19: {  	[tilespmem:s13+$0xB0] =	vst v0  }
0x1a: {  	[tilespmem:s13+$0xC0] =	vst v0  }
0x1b: {  	[tilespmem:s13+$0xD0] =	vst v0  }
0x1c: {  	[tilespmem:s13+$0xE0] =	vst v0;
	s13 =	sshra.s32 s14, $0x2;
	s14 =	sadd.s32 $0x400, s14  }
0x1d: {  	[tilespmem:s13+$0xF0] =	vst v0  }
0x1e: {  	[tilespmem:s13+$0x0] =	vst v0  }
0x1f: {  	[tilespmem:s13+$0x10] =	vst v0  }
0x20: {  	[tilespmem:s13+$0x20] =	vst v0  }
0x21: {  	[tilespmem:s13+$0x30] =	vst v0  }
0x22: {  	[tilespmem:s13+$0x40] =	vst v0  }
0x23: {  	[tilespmem:s13+$0x50] =	vst v0  }
0x24: {  	[tilespmem:s13+$0x60] =	vst v0  }
0x25: {  	[tilespmem:s13+$0x70] =	vst v0  }
0x26: {  	[tilespmem:s13+$0x80] =	vst v0  }
0x27: {  	[tilespmem:s13+$0x90] =	vst v0  }
0x28: {  	[tilespmem:s13+$0xA0] =	vst v0  }
0x29: {  	[tilespmem:s13+$0xB0] =	vst v0  }
0x2a: {  	[tilespmem:s13+$0xC0] =	vst v0  }
0x2b: {  	[tilespmem:s13+$0xD0] =	vst v0  }
0x2c: {  	[tilespmem:s13+$0xE0] =	vst v0  }
0x2d: {  	_ =	swait.ge [sflag:s8], $0x4000  }
0x2e: {  	[sflag:s8] =	ssyncset.done $0x0  }
0x2f: {  	s30 =	simm.s32 $0x0;
	s31 =	simm.s32 $0x0;
	[sflag:s8] =	ssyncadd.s32 $0xFFFFC000  }
0x30: {  	[tilespmem:s9], [sflag:$0x1] =	stream.linear.gather [hbm4b:s4+s30], $0x4000, $0x38;
	[tilespmem:$0x10800] =	vst v63  }
0x31: {  	v3 =	vld [tilespmem:s31+$0x8800]  }
0x32: {  	v4 =	vld [tilespmem:s31+$0x8810]  }
0x33: {  	v5 =	vld [tilespmem:s31+$0x8820]  }
0x34: {  	v15 =	vld [tilespmem:s31+$0x8840];
	_ =	sdelay $0x1  }
0x35: {  	v2 =	vshrl.u32 v3, $0x10;
	v6 =	vshll.u32 v3, $0x5;
	v7 =	vand.u32 $0x7FF, v3  }
0x36: {  	v9 =	vshrl.u32 v4, $0x10;
	v10 =	vshrl.u32 v4, $0xB;
	v12 =	vshll.u32 v4, $0x5  }
0x37: {  	v13 =	vand.u32 $0x7FF, v4;
	v14 =	vshrl.u32 v5, $0x10;
	v3 =	vshrl.u32 v3, $0xB  }
0x38: {  	v17 =	vand.u32 $0x7FF, v5;
	v18 =	vshll.u32 v5, $0x5;
	v22 =	vshrl.u32 v15, $0xB  }
0x39: {  	v6 =	vand.u32 $0x10000, v6;
	v8 =	vor.u32 v1, v7;
	v7 =	vand.u32 $0x7FF, v2  }
0x3a: {  	v4 =	vld [tilespmem:s31+$0x8850];
	v9 =	vand.u32 $0x7FF, v9;
	v12 =	vand.u32 $0x10000, v12;
	v13 =	vor.u32 v1, v13  }
0x3b: {  	v14 =	vand.u32 $0x7FF, v14;
	v3 =	vand.u32 $0x10000, v3;
	v11 =	vor.u32 v1, v7;
	v7 =	vld [tilespmem:s31+$0x8830]  }
0x3c: {  	v10 =	vand.u32 $0x10000, v10;
	v18 =	vand.u32 $0x10000, v18;
	v17 =	vor.u32 v1, v17  }
0x3d: {  	v2 =	vld [tilespmem:s31+$0x8860];
	v9 =	vor.u32 v1, v9;
	v16 =	vor.u32 $0x1, v6;
	v6 =	vshrl.u32 v5, $0xB  }
0x3e: {  	v12 =	vor.u32 $0x1, v12;
	v14 =	vor.u32 v1, v14;
	v10 =	vor.u32 $0x1, v10  }
0x3f: {  	v24 =	vor.u32 $0x1, v3;
	v18 =	vor.u32 $0x1, v18;
	v6 =	vand.u32 $0x10000, v6  }
0x40: {  	v25 =	vor.u32 $0x1, v6;
	v21 =	vand.u32 $0x7FF, v4;
	v19 =	vshrl.u32 v7, $0xB  }
0x41: {  	v20 =	vand.u32 $0x7FF, v7;
	v23 =	vshrl.u32 v7, $0x10;
	v7 =	vshll.u32 v7, $0x5  }
0x42: {  	v5 =	vand.u32 $0x7FF, v2;
	v3 =	vand.u32 $0x10000, v7;
	v7 =	vand.u32 $0x10000, v19  }
0x43: {  	v19 =	vand.u32 $0x7FF, v15;
	v23 =	vand.u32 $0x7FF, v23;
	v6 =	vor.u32 $0x1, v3;
	v3 =	vld [tilespmem:s31+$0x8870]  }
0x44: {  	v7 =	vor.u32 $0x1, v7;
	[tilespmem:v8+s2+$0x0] =	vst.idx.add.s32.msk $0xffff, v16;
	v16 =	vshrl.u32 v15, $0x10;
	v8 =	vor.u32 v1, v19  }
0x45: {  	v19 =	vshrl.u32 v4, $0x10;
	[tilespmem:v11+s2+$0x0] =	vst.idx.add.s32.msk $0xffff, v24;
	v11 =	vor.u32 v1, v23;
	v63 =	vand.u32 $0x7FF, v16  }
0x46: {  	[tilespmem:v13+s2+$0x0] =	vst.idx.add.s32.msk $0xffff, v12;
	v12 =	vshll.u32 v15, $0x5;
	v13 =	vor.u32 v1, v20;
	v15 =	vand.u32 $0x7FF, v19  }
0x47: {  	[tilespmem:v9+s2+$0x0] =	vst.idx.add.s32.msk $0xffff, v10;
	v16 =	vand.u32 $0x10000, v12;
	v9 =	vand.u32 $0x10000, v22;
	v10 =	vor.u32 v1, v21  }
0x48: {  	[tilespmem:v17+s2+$0x0] =	vst.idx.add.s32.msk $0xffff, v18;
	v12 =	vor.u32 $0x1, v9;
	v17 =	vshll.u32 v4, $0x5;
	v9 =	vor.u32 v1, v15  }
0x49: {  	s13 =	simm.s32 $0x200;
	v15 =	vor.u32 $0x1, v16;
	[tilespmem:v14+s2+$0x0] =	vst.idx.add.s32.msk $0xffff, v25;
	v16 =	vand.u32 $0x10000, v17;
	v14 =	vor.u32 v1, v63  }
.LBB2_4:
0x4a: {  	p0 =	sne.s32 s13, $0xFE00;
	v17 =	vshrl.u32 v2, $0x10;
	v18 =	vshrl.u32 v3, $0x10;
	v4 =	vshrl.u32 v4, $0xB;
	s14 =	smov.u32 s13;
	s13 =	sadd.s32 $0x200, s13  }
0x4b: {  	v16 =	vor.u32 $0x1, v16;
	v4 =	vand.u32 $0x10000, v4;
	[tilespmem:v13+s2+$0x0] =	vst.idx.add.s32.msk $0xffff, v6;
	v6 =	vand.u32 $0x7FF, v17  }
0x4c: {  	v5 =	vor.u32 v1, v5;
	[tilespmem:v11+s2+$0x0] =	vst.idx.add.s32.msk $0xffff, v7;
	v7 =	vand.u32 $0x7FF, v3;
	v11 =	vand.u32 $0x7FF, v18  }
0x4d: {  	v13 =	vshll.u32 v2, $0x5;
	v2 =	vshrl.u32 v2, $0xB;
	v6 =	vor.u32 v1, v6;
	[tilespmem:v8+s2+$0x0] =	vst.idx.add.s32.msk $0xffff, v15  }
0x4e: {  	v2 =	vand.u32 $0x10000, v2;
	v8 =	vand.u32 $0x10000, v13;
	v7 =	vor.u32 v1, v7;
	[tilespmem:v14+s2+$0x0] =	vst.idx.add.s32.msk $0xffff, v12  }
0x4f: {  	v4 =	vor.u32 $0x1, v4;
	v12 =	vshll.u32 v3, $0x5;
	[tilespmem:v10+s2+$0x0] =	vst.idx.add.s32.msk $0xffff, v16;
	v10 =	vor.u32 v1, v11  }
0x50: {  	v8 =	vor.u32 $0x1, v8;
	v3 =	vshrl.u32 v3, $0xB;
	v11 =	vand.u32 $0x10000, v12;
	[tilespmem:v9+s2+$0x0] =	vst.idx.add.s32.msk $0xffff, v4  }
0x51: {  	v2 =	vor.u32 $0x1, v2;
	v3 =	vand.u32 $0x10000, v3;
	[tilespmem:v5+s2+$0x0] =	vst.idx.add.s32.msk $0xffff, v8  }
0x52: {  	v4 =	vor.u32 $0x1, v11;
	[tilespmem:v6+s2+$0x0] =	vst.idx.add.s32.msk $0xffff, v2  }
0x53: {  	v2 =	vor.u32 $0x1, v3;
	[tilespmem:v7+s2+$0x0] =	vst.idx.add.s32.msk $0xffff, v4  }
0x54: {  	s14 =	sshra.s32 s14, $0x2;
	[tilespmem:v10+s2+$0x0] =	vst.idx.add.s32.msk $0xffff, v2  }
0x55: {  	v5 =	vld [tilespmem:s14+$0x8800];
	_ =	sdelay $0x1  }
0x56: {  	v4 =	vld [tilespmem:s14+$0x8810];
	_ =	sdelay $0x1  }
0x57: {  	v6 =	vld [tilespmem:s14+$0x8820]  }
0x58: {  	v2 =	vshrl.u32 v5, $0x10;
	v7 =	vshll.u32 v5, $0x5;
	v8 =	vand.u32 $0x7FF, v5  }
0x59: {  	v3 =	vld [tilespmem:s14+$0x8870];
	v7 =	vand.u32 $0x10000, v7;
	v8 =	vor.u32 v1, v8;
	v9 =	vand.u32 $0x7FF, v2  }
0x5a: {  	v2 =	vld [tilespmem:s14+$0x8860];
	v10 =	vshrl.u32 v4, $0x10;
	v11 =	vshrl.u32 v4, $0xB;
	v9 =	vor.u32 v1, v9  }
0x5b: {  	v13 =	vshll.u32 v4, $0x5;
	v14 =	vand.u32 $0x7FF, v4;
	v12 =	vld [tilespmem:s14+$0x8830];
	v10 =	vand.u32 $0x7FF, v10  }
0x5c: {  	v16 =	vshrl.u32 v5, $0xB;
	v4 =	vld [tilespmem:s14+$0x8850];
	v15 =	vshrl.u32 v6, $0x10;
	v10 =	vor.u32 v1, v10  }
0x5d: {  	v5 =	vor.u32 $0x1, v7;
	v7 =	vshrl.u32 v6, $0xB;
	v18 =	vand.u32 $0x7FF, v6;
	v17 =	vld [tilespmem:s14+$0x8840]  }
0x5e: {  	v13 =	vand.u32 $0x10000, v13;
	[tilespmem:v8+s2+$0x0] =	vst.idx.add.s32.msk $0xffff, v5;
	v8 =	vor.u32 v1, v14;
	v14 =	vand.u32 $0x7FF, v15  }
0x5f: {  	v13 =	vor.u32 $0x1, v13;
	v6 =	vshll.u32 v6, $0x5;
	v5 =	vand.u32 $0x7FF, v2  }
0x60: {  	v15 =	vand.u32 $0x10000, v16;
	v14 =	vor.u32 v1, v14;
	v16 =	vshrl.u32 v12, $0xB  }
0x61: {  	v11 =	vand.u32 $0x10000, v11;
	v19 =	vand.u32 $0x7FF, v12;
	v20 =	vand.u32 $0x7FF, v4  }
0x62: {  	v11 =	vor.u32 $0x1, v11;
	v7 =	vand.u32 $0x10000, v7;
	v21 =	vshrl.u32 v17, $0xB  }
0x63: {  	v23 =	vand.u32 $0x10000, v6;
	v22 =	vshrl.u32 v12, $0x10;
	v6 =	vshll.u32 v12, $0x5  }
0x64: {  	v12 =	vor.u32 $0x1, v15;
	v15 =	vor.u32 $0x1, v7;
	v6 =	vand.u32 $0x10000, v6  }
0x65: {  	v7 =	vand.u32 $0x10000, v16;
	v6 =	vor.u32 $0x1, v6;
	[tilespmem:v9+s2+$0x0] =	vst.idx.add.s32.msk $0xffff, v12;
	v9 =	vor.u32 v1, v18  }
0x66: {  	v7 =	vor.u32 $0x1, v7;
	v12 =	vor.u32 $0x1, v23;
	[tilespmem:v8+s2+$0x0] =	vst.idx.add.s32.msk $0xffff, v13;
	v8 =	vand.u32 $0x7FF, v17  }
0x67: {  	v13 =	vshrl.u32 v17, $0x10;
	[tilespmem:v10+s2+$0x0] =	vst.idx.add.s32.msk $0xffff, v11;
	v10 =	vand.u32 $0x7FF, v22;
	v8 =	vor.u32 v1, v8  }
.Ltmp1:
0x68: {  	v16 =	vshrl.u32 v4, $0x10;
	v18 =	vand.u32 $0x7FF, v13;
	v11 =	vor.u32 v1, v10;
	(pc) =	sbr.rel @p0 .LBB2_4-.Ltmp1, $4  }
0x69: {  	v16 =	vand.u32 $0x7FF, v16;
	v13 =	vor.u32 v1, v19;
	v10 =	vshll.u32 v17, $0x5  }
0x6a: {  	v19 =	vand.u32 $0x10000, v21;
	v17 =	vand.u32 $0x10000, v10;
	v10 =	vor.u32 v1, v20;
	[tilespmem:v9+s2+$0x0] =	vst.idx.add.s32.msk $0xffff, v12  }
0x6b: {  	v12 =	vor.u32 $0x1, v19;
	v19 =	vshll.u32 v4, $0x5;
	v9 =	vor.u32 v1, v16;
	[tilespmem:v14+s2+$0x0] =	vst.idx.add.s32.msk $0xffff, v15  }
0x6c: {  	v15 =	vor.u32 $0x1, v17;
	v16 =	vand.u32 $0x10000, v19;
	v14 =	vor.u32 v1, v18  }
0x6d: {  	_ =	sdelay $0x2  }
0x6e: {  	v17 =	vshrl.u32 v2, $0x10  }
0x6f: {  	v18 =	vshrl.u32 v3, $0x10;
	v4 =	vshrl.u32 v4, $0xB;
	v16 =	vor.u32 $0x1, v16;
	[tilespmem:v13+s2+$0x0] =	vst.idx.add.s32.msk $0xffff, v6  }
0x70: {  	v5 =	vor.u32 v1, v5;
	v4 =	vand.u32 $0x10000, v4;
	v6 =	vand.u32 $0x7FF, v17;
	[tilespmem:v11+s2+$0x0] =	vst.idx.add.s32.msk $0xffff, v7  }
0x71: {  	v7 =	vand.u32 $0x7FF, v3;
	v11 =	vand.u32 $0x7FF, v18;
	[tilespmem:v8+s2+$0x0] =	vst.idx.add.s32.msk $0xffff, v15;
	v6 =	vor.u32 v1, v6  }
0x72: {  	v8 =	vshll.u32 v2, $0x5;
	v2 =	vshrl.u32 v2, $0xB;
	v7 =	vor.u32 v1, v7;
	[tilespmem:v14+s2+$0x0] =	vst.idx.add.s32.msk $0xffff, v12  }
0x73: {  	v4 =	vor.u32 $0x1, v4;
	v8 =	vand.u32 $0x10000, v8;
	[tilespmem:v10+s2+$0x0] =	vst.idx.add.s32.msk $0xffff, v16;
	v10 =	vor.u32 v1, v11  }
0x74: {  	v2 =	vand.u32 $0x10000, v2;
	v11 =	vshll.u32 v3, $0x5;
	v8 =	vor.u32 $0x1, v8;
	[tilespmem:v9+s2+$0x0] =	vst.idx.add.s32.msk $0xffff, v4  }
0x75: {  	v3 =	vshrl.u32 v3, $0xB;
	v2 =	vor.u32 $0x1, v2;
	v4 =	vand.u32 $0x10000, v11;
	[tilespmem:v5+s2+$0x0] =	vst.idx.add.s32.msk $0xffff, v8  }
0x76: {  	v3 =	vand.u32 $0x10000, v3;
	v4 =	vor.u32 $0x1, v4;
	[tilespmem:v6+s2+$0x0] =	vst.idx.add.s32.msk $0xffff, v2  }
0x77: {  	v2 =	vor.u32 $0x1, v3;
	[tilespmem:v7+s2+$0x0] =	vst.idx.add.s32.msk $0xffff, v4  }
0x78: {  	[tilespmem:v10+s2+$0x0] =	vst.idx.add.s32.msk $0xffff, v2  }
0x79: {  	_ =	swait.ge [sflag:s8], $0x4000  }
0x7a: {  	[sflag:s8] =	ssyncset.done $0x0  }
0x7b: {  	s14 =	simm.s32 $0x0;
	[sflag:s8] =	ssyncadd.s32 $0xFFFFC000  }
0x7c: {  	v3 =	vld [tilespmem:s14+$0xC800]  }
0x7d: {  	v4 =	vld [tilespmem:s14+$0xC810]  }
0x7e: {  	v5 =	vld [tilespmem:s14+$0xC820]  }
0x7f: {  	v15 =	vld [tilespmem:s14+$0xC840];
	_ =	sdelay $0x1  }
0x80: {  	v2 =	vshrl.u32 v3, $0x10;
	v6 =	vshll.u32 v3, $0x5;
	v7 =	vand.u32 $0x7FF, v3  }
0x81: {  	v9 =	vshrl.u32 v4, $0x10;
	v10 =	vshrl.u32 v4, $0xB;
	v12 =	vshll.u32 v4, $0x5  }
0x82: {  	v13 =	vand.u32 $0x7FF, v4;
	v14 =	vshrl.u32 v5, $0x10;
	v3 =	vshrl.u32 v3, $0xB  }
0x83: {  	v17 =	vand.u32 $0x7FF, v5;
	v18 =	vshll.u32 v5, $0x5;
	v22 =	vshrl.u32 v15, $0xB  }
0x84: {  	v6 =	vand.u32 $0x10000, v6;
	v8 =	vor.u32 v1, v7;
	v7 =	vand.u32 $0x7FF, v2  }
0x85: {  	v4 =	vld [tilespmem:s14+$0xC850];
	v9 =	vand.u32 $0x7FF, v9;
	v12 =	vand.u32 $0x10000, v12;
	v13 =	vor.u32 v1, v13  }
0x86: {  	v14 =	vand.u32 $0x7FF, v14;
	v3 =	vand.u32 $0x10000, v3;
	v11 =	vor.u32 v1, v7;
	v7 =	vld [tilespmem:s14+$0xC830]  }
0x87: {  	v10 =	vand.u32 $0x10000, v10;
	v18 =	vand.u32 $0x10000, v18;
	v17 =	vor.u32 v1, v17  }
0x88: {  	v2 =	vld [tilespmem:s14+$0xC860];
	v9 =	vor.u32 v1, v9;
	v16 =	vor.u32 $0x1, v6;
	v6 =	vshrl.u32 v5, $0xB  }
0x89: {  	v12 =	vor.u32 $0x1, v12;
	v14 =	vor.u32 v1, v14;
	v10 =	vor.u32 $0x1, v10  }
0x8a: {  	v24 =	vor.u32 $0x1, v3;
	v18 =	vor.u32 $0x1, v18;
	v6 =	vand.u32 $0x10000, v6  }
0x8b: {  	v25 =	vor.u32 $0x1, v6;
	v21 =	vand.u32 $0x7FF, v4;
	v19 =	vshrl.u32 v7, $0xB  }
0x8c: {  	v20 =	vand.u32 $0x7FF, v7;
	v23 =	vshrl.u32 v7, $0x10;
	v7 =	vshll.u32 v7, $0x5  }
0x8d: {  	v5 =	vand.u32 $0x7FF, v2;
	v3 =	vand.u32 $0x10000, v7;
	v7 =	vand.u32 $0x10000, v19  }
0x8e: {  	s13 =	simm.s32 $0x0;
	v19 =	vand.u32 $0x7FF, v15;
	v23 =	vand.u32 $0x7FF, v23;
	v6 =	vor.u32 $0x1, v3;
	v3 =	vld [tilespmem:s14+$0xC870]  }
0x8f: {  	v7 =	vor.u32 $0x1, v7;
	[tilespmem:v8+s13+$0x0] =	vst.idx.add.s32.msk $0xffff, v16;
	v16 =	vshrl.u32 v15, $0x10;
	v8 =	vor.u32 v1, v19  }
0x90: {  	v19 =	vshrl.u32 v4, $0x10;
	[tilespmem:v11+s13+$0x0] =	vst.idx.add.s32.msk $0xffff, v24;
	v11 =	vor.u32 v1, v23;
	v63 =	vand.u32 $0x7FF, v16  }
0x91: {  	[tilespmem:v13+s13+$0x0] =	vst.idx.add.s32.msk $0xffff, v12;
	v12 =	vshll.u32 v15, $0x5;
	v13 =	vor.u32 v1, v20;
	v15 =	vand.u32 $0x7FF, v19  }
0x92: {  	[tilespmem:v9+s13+$0x0] =	vst.idx.add.s32.msk $0xffff, v10;
	v16 =	vand.u32 $0x10000, v12;
	v9 =	vand.u32 $0x10000, v22;
	v10 =	vor.u32 v1, v21  }
0x93: {  	[tilespmem:v17+s13+$0x0] =	vst.idx.add.s32.msk $0xffff, v18;
	v12 =	vor.u32 $0x1, v9;
	v17 =	vshll.u32 v4, $0x5;
	v9 =	vor.u32 v1, v15  }
0x94: {  	s14 =	simm.s32 $0x200;
	v15 =	vor.u32 $0x1, v16;
	[tilespmem:v14+s13+$0x0] =	vst.idx.add.s32.msk $0xffff, v25;
	v16 =	vand.u32 $0x10000, v17;
	v14 =	vor.u32 v1, v63  }
.LBB2_6:
0x95: {  	p0 =	sne.s32 s14, $0xFE00;
	v17 =	vshrl.u32 v2, $0x10;
	v18 =	vshrl.u32 v3, $0x10;
	v4 =	vshrl.u32 v4, $0xB;
	s15 =	smov.u32 s14;
	s14 =	sadd.s32 $0x200, s14  }
0x96: {  	v16 =	vor.u32 $0x1, v16;
	v4 =	vand.u32 $0x10000, v4;
	[tilespmem:v13+s13+$0x0] =	vst.idx.add.s32.msk $0xffff, v6;
	v6 =	vand.u32 $0x7FF, v17  }
0x97: {  	v5 =	vor.u32 v1, v5;
	[tilespmem:v11+s13+$0x0] =	vst.idx.add.s32.msk $0xffff, v7;
	v7 =	vand.u32 $0x7FF, v3;
	v11 =	vand.u32 $0x7FF, v18  }
0x98: {  	v13 =	vshll.u32 v2, $0x5;
	v2 =	vshrl.u32 v2, $0xB;
	v6 =	vor.u32 v1, v6;
	[tilespmem:v8+s13+$0x0] =	vst.idx.add.s32.msk $0xffff, v15  }
0x99: {  	v2 =	vand.u32 $0x10000, v2;
	v8 =	vand.u32 $0x10000, v13;
	v7 =	vor.u32 v1, v7;
	[tilespmem:v14+s13+$0x0] =	vst.idx.add.s32.msk $0xffff, v12  }
0x9a: {  	v4 =	vor.u32 $0x1, v4;
	v12 =	vshll.u32 v3, $0x5;
	[tilespmem:v10+s13+$0x0] =	vst.idx.add.s32.msk $0xffff, v16;
	v10 =	vor.u32 v1, v11  }
0x9b: {  	v8 =	vor.u32 $0x1, v8;
	v3 =	vshrl.u32 v3, $0xB;
	v11 =	vand.u32 $0x10000, v12;
	[tilespmem:v9+s13+$0x0] =	vst.idx.add.s32.msk $0xffff, v4  }
0x9c: {  	v2 =	vor.u32 $0x1, v2;
	v3 =	vand.u32 $0x10000, v3;
	[tilespmem:v5+s13+$0x0] =	vst.idx.add.s32.msk $0xffff, v8  }
0x9d: {  	v4 =	vor.u32 $0x1, v11;
	[tilespmem:v6+s13+$0x0] =	vst.idx.add.s32.msk $0xffff, v2  }
0x9e: {  	v2 =	vor.u32 $0x1, v3;
	[tilespmem:v7+s13+$0x0] =	vst.idx.add.s32.msk $0xffff, v4  }
0x9f: {  	s15 =	sshra.s32 s15, $0x2;
	[tilespmem:v10+s13+$0x0] =	vst.idx.add.s32.msk $0xffff, v2  }
0xa0: {  	v5 =	vld [tilespmem:s15+$0xC800];
	_ =	sdelay $0x1  }
0xa1: {  	v4 =	vld [tilespmem:s15+$0xC810];
	_ =	sdelay $0x1  }
0xa2: {  	v6 =	vld [tilespmem:s15+$0xC820]  }
0xa3: {  	v2 =	vshrl.u32 v5, $0x10;
	v7 =	vshll.u32 v5, $0x5;
	v8 =	vand.u32 $0x7FF, v5  }
0xa4: {  	v3 =	vld [tilespmem:s15+$0xC870];
	v7 =	vand.u32 $0x10000, v7;
	v8 =	vor.u32 v1, v8;
	v9 =	vand.u32 $0x7FF, v2  }
0xa5: {  	v2 =	vld [tilespmem:s15+$0xC860];
	v10 =	vshrl.u32 v4, $0x10;
	v11 =	vshrl.u32 v4, $0xB;
	v9 =	vor.u32 v1, v9  }
0xa6: {  	v13 =	vshll.u32 v4, $0x5;
	v14 =	vand.u32 $0x7FF, v4;
	v12 =	vld [tilespmem:s15+$0xC830];
	v10 =	vand.u32 $0x7FF, v10  }
0xa7: {  	v16 =	vshrl.u32 v5, $0xB;
	v4 =	vld [tilespmem:s15+$0xC850];
	v15 =	vshrl.u32 v6, $0x10;
	v10 =	vor.u32 v1, v10  }
0xa8: {  	v5 =	vor.u32 $0x1, v7;
	v7 =	vshrl.u32 v6, $0xB;
	v18 =	vand.u32 $0x7FF, v6;
	v17 =	vld [tilespmem:s15+$0xC840]  }
0xa9: {  	v13 =	vand.u32 $0x10000, v13;
	[tilespmem:v8+s13+$0x0] =	vst.idx.add.s32.msk $0xffff, v5;
	v8 =	vor.u32 v1, v14;
	v14 =	vand.u32 $0x7FF, v15  }
0xaa: {  	v13 =	vor.u32 $0x1, v13;
	v6 =	vshll.u32 v6, $0x5;
	v5 =	vand.u32 $0x7FF, v2  }
0xab: {  	v15 =	vand.u32 $0x10000, v16;
	v14 =	vor.u32 v1, v14;
	v16 =	vshrl.u32 v12, $0xB  }
0xac: {  	v11 =	vand.u32 $0x10000, v11;
	v19 =	vand.u32 $0x7FF, v12;
	v20 =	vand.u32 $0x7FF, v4  }
0xad: {  	v11 =	vor.u32 $0x1, v11;
	v7 =	vand.u32 $0x10000, v7;
	v21 =	vshrl.u32 v17, $0xB  }
0xae: {  	v23 =	vand.u32 $0x10000, v6;
	v22 =	vshrl.u32 v12, $0x10;
	v6 =	vshll.u32 v12, $0x5  }
0xaf: {  	v12 =	vor.u32 $0x1, v15;
	v15 =	vor.u32 $0x1, v7;
	v6 =	vand.u32 $0x10000, v6  }
0xb0: {  	v7 =	vand.u32 $0x10000, v16;
	v6 =	vor.u32 $0x1, v6;
	[tilespmem:v9+s13+$0x0] =	vst.idx.add.s32.msk $0xffff, v12;
	v9 =	vor.u32 v1, v18  }
0xb1: {  	v7 =	vor.u32 $0x1, v7;
	v12 =	vor.u32 $0x1, v23;
	[tilespmem:v8+s13+$0x0] =	vst.idx.add.s32.msk $0xffff, v13;
	v8 =	vand.u32 $0x7FF, v17  }
0xb2: {  	v13 =	vshrl.u32 v17, $0x10;
	[tilespmem:v10+s13+$0x0] =	vst.idx.add.s32.msk $0xffff, v11;
	v10 =	vand.u32 $0x7FF, v22;
	v8 =	vor.u32 v1, v8  }
.Ltmp2:
0xb3: {  	v16 =	vshrl.u32 v4, $0x10;
	v18 =	vand.u32 $0x7FF, v13;
	v11 =	vor.u32 v1, v10;
	(pc) =	sbr.rel @p0 .LBB2_6-.Ltmp2, $4  }
0xb4: {  	v16 =	vand.u32 $0x7FF, v16;
	v13 =	vor.u32 v1, v19;
	v10 =	vshll.u32 v17, $0x5  }
0xb5: {  	v19 =	vand.u32 $0x10000, v21;
	v17 =	vand.u32 $0x10000, v10;
	v10 =	vor.u32 v1, v20;
	[tilespmem:v9+s13+$0x0] =	vst.idx.add.s32.msk $0xffff, v12  }
0xb6: {  	v12 =	vor.u32 $0x1, v19;
	v19 =	vshll.u32 v4, $0x5;
	v9 =	vor.u32 v1, v16;
	[tilespmem:v14+s13+$0x0] =	vst.idx.add.s32.msk $0xffff, v15  }
0xb7: {  	v15 =	vor.u32 $0x1, v17;
	v16 =	vand.u32 $0x10000, v19;
	v14 =	vor.u32 v1, v18  }
0xb8: {  	_ =	sdelay $0x2  }
0xb9: {  	v17 =	vshrl.u32 v2, $0x10  }
0xba: {  	v18 =	vshrl.u32 v3, $0x10;
	v4 =	vshrl.u32 v4, $0xB;
	v16 =	vor.u32 $0x1, v16;
	[tilespmem:v13+s13+$0x0] =	vst.idx.add.s32.msk $0xffff, v6  }
0xbb: {  	v5 =	vor.u32 v1, v5;
	v4 =	vand.u32 $0x10000, v4;
	v6 =	vand.u32 $0x7FF, v17;
	[tilespmem:v11+s13+$0x0] =	vst.idx.add.s32.msk $0xffff, v7  }
0xbc: {  	v7 =	vand.u32 $0x7FF, v3;
	v61 =	vand.u32 $0x7FF, v18;
	[tilespmem:v8+s13+$0x0] =	vst.idx.add.s32.msk $0xffff, v15;
	v6 =	vor.u32 v1, v6  }
0xbd: {  	v8 =	vshll.u32 v2, $0x5;
	v2 =	vshrl.u32 v2, $0xB;
	v7 =	vor.u32 v1, v7;
	[tilespmem:v14+s13+$0x0] =	vst.idx.add.s32.msk $0xffff, v12  }
0xbe: {  	v4 =	vor.u32 $0x1, v4;
	v62 =	vor.u32 v1, v61;
	v8 =	vand.u32 $0x10000, v8;
	[tilespmem:v10+s13+$0x0] =	vst.idx.add.s32.msk $0xffff, v16  }
0xbf: {  	v63 =	vshll.u32 v3, $0x5;
	v2 =	vand.u32 $0x10000, v2;
	v8 =	vor.u32 $0x1, v8;
	[tilespmem:v9+s13+$0x0] =	vst.idx.add.s32.msk $0xffff, v4  }
0xc0: {  	v3 =	vshrl.u32 v3, $0xB;
	v2 =	vor.u32 $0x1, v2;
	v4 =	vand.u32 $0x10000, v63;
	[tilespmem:v5+s13+$0x0] =	vst.idx.add.s32.msk $0xffff, v8  }
0xc1: {  	v3 =	vand.u32 $0x10000, v3;
	v4 =	vor.u32 $0x1, v4;
	[tilespmem:v6+s13+$0x0] =	vst.idx.add.s32.msk $0xffff, v2  }
0xc2: {  	v2 =	vor.u32 $0x1, v3;
	[tilespmem:v7+s13+$0x0] =	vst.idx.add.s32.msk $0xffff, v4  }
0xc3: {  	[tilespmem:v62+s13+$0x0] =	vst.idx.add.s32.msk $0xffff, v2;
	s13 =	simm.s32 $0x0  }
0xc4: {  	v2 =	vld [tilespmem:s13+$0x0]  }
0xc5: {  	v3 =	vld [tilespmem:s13+$0x800]  }
0xc6: {  	v4 =	vld [tilespmem:s13+$0x1000]  }
0xc7: {  	v5 =	vld [tilespmem:s13+$0x1800]  }
0xc8: {  	v6 =	vld [tilespmem:s13+$0x2000]  }
0xc9: {  	v7 =	vld [tilespmem:s13+$0x2800]  }
0xca: {  	v2 =	vadd.s32 v2, v3;
	v3 =	vld [tilespmem:s13+$0x3000]  }
0xcb: {  	v2 =	vadd.s32 v4, v2;
	v4 =	vld [tilespmem:s13+$0x3800]  }
0xcc: {  	v2 =	vadd.s32 v5, v2;
	v5 =	vld [tilespmem:s13+$0x4000]  }
0xcd: {  	v2 =	vadd.s32 v6, v2;
	v6 =	vld [tilespmem:s13+$0x4800]  }
0xce: {  	v2 =	vadd.s32 v7, v2;
	v7 =	vld [tilespmem:s13+$0x5000]  }
0xcf: {  	v8 =	vld [tilespmem:s13+$0x5800];
	v2 =	vadd.s32 v3, v2  }
0xd0: {  	v3 =	vld [tilespmem:s13+$0x6000];
	v2 =	vadd.s32 v4, v2  }
0xd1: {  	v4 =	vld [tilespmem:s13+$0x6800];
	v2 =	vadd.s32 v5, v2  }
0xd2: {  	v5 =	vld [tilespmem:s13+$0x7000];
	v2 =	vadd.s32 v6, v2  }
0xd3: {  	s14 =	simm.s32 $0x10;
	v6 =	vld [tilespmem:s13+$0x7800];
	v7 =	vadd.s32 v7, v2  }
0xd4: {  	s15 =	simm.s32 $0x80;
	v2 =	vld [tilespmem:s14+$0x0];
	v7 =	vadd.s32 v8, v7  }
.LBB2_8:
0xd5: {  	p0 =	sne.s32 s15, $0x1FC0;
	v8 =	vld [tilespmem:s14+$0x800];
	v3 =	vadd.s32 v3, v7  }
0xd6: {  	v7 =	vld [tilespmem:s14+$0x1000];
	v3 =	vadd.s32 v4, v3  }
0xd7: {  	v4 =	vld [tilespmem:s14+$0x1800];
	v3 =	vadd.s32 v5, v3  }
0xd8: {  	v5 =	vld [tilespmem:s14+$0x2000];
	v3 =	vadd.s32 v6, v3  }
0xd9: {  	v6 =	vld [tilespmem:s14+$0x2800];
	[tilespmem:s13+$0x8000] =	vst v3;
	s13 =	smov.u32 s14  }
0xda: {  	v2 =	vadd.s32 v2, v8;
	v3 =	vld [tilespmem:s13+$0x3000]  }
0xdb: {  	v2 =	vadd.s32 v7, v2;
	v7 =	vld [tilespmem:s13+$0x3800]  }
0xdc: {  	v2 =	vadd.s32 v4, v2;
	v4 =	vld [tilespmem:s13+$0x4000]  }
0xdd: {  	v2 =	vadd.s32 v5, v2;
	v5 =	vld [tilespmem:s13+$0x4800]  }
0xde: {  	v2 =	vadd.s32 v6, v2;
	v6 =	vld [tilespmem:s13+$0x5000]  }
0xdf: {  	v2 =	vadd.s32 v3, v2;
	v8 =	vld [tilespmem:s13+$0x5800]  }
.Ltmp3:
0xe0: {  	v2 =	vadd.s32 v7, v2;
	v3 =	vld [tilespmem:s13+$0x6000];
	(pc) =	sbr.rel @p0 .LBB2_8-.Ltmp3, $4  }
0xe1: {  	v2 =	vadd.s32 v4, v2;
	v4 =	vld [tilespmem:s13+$0x6800]  }
0xe2: {  	v2 =	vadd.s32 v5, v2;
	v5 =	vld [tilespmem:s13+$0x7000]  }
0xe3: {  	s14 =	sshra.s32 s15, $0x2;
	v7 =	vadd.s32 v6, v2;
	v6 =	vld [tilespmem:s13+$0x7800]  }
0xe4: {  	s15 =	sadd.s32 $0x40, s15;
	v2 =	vld [tilespmem:s14+$0x0];
	v7 =	vadd.s32 v8, v7  }
0xe5: {  	v8 =	vld [tilespmem:s14+$0x800];
	v3 =	vadd.s32 v3, v7  }
0xe6: {  	v52 =	vld [tilespmem:s14+$0x1000];
	v3 =	vadd.s32 v4, v3  }
0xe7: {  	v53 =	vld [tilespmem:s14+$0x1800];
	v3 =	vadd.s32 v5, v3  }
0xe8: {  	v54 =	vld [tilespmem:s14+$0x2000];
	v3 =	vadd.s32 v6, v3  }
0xe9: {  	v55 =	vld [tilespmem:s14+$0x2800];
	[tilespmem:s13+$0x8000] =	vst v3  }
0xea: {  	v2 =	vadd.s32 v2, v8;
	v3 =	vld [tilespmem:s14+$0x3000]  }
0xeb: {  	v56 =	vld [tilespmem:s14+$0x3800];
	v2 =	vadd.s32 v52, v2  }
0xec: {  	v57 =	vld [tilespmem:s14+$0x4000];
	v2 =	vadd.s32 v53, v2  }
0xed: {  	v58 =	vld [tilespmem:s14+$0x4800];
	v2 =	vadd.s32 v54, v2  }
0xee: {  	v59 =	vld [tilespmem:s14+$0x5000];
	v2 =	vadd.s32 v55, v2  }
0xef: {  	v2 =	vadd.s32 v3, v2;
	v3 =	vld [tilespmem:s14+$0x5800]  }
0xf0: {  	v60 =	vld [tilespmem:s14+$0x6000];
	v2 =	vadd.s32 v56, v2  }
0xf1: {  	v61 =	vld [tilespmem:s14+$0x6800];
	v2 =	vadd.s32 v57, v2  }
0xf2: {  	v62 =	vld [tilespmem:s14+$0x7000];
	v2 =	vadd.s32 v58, v2  }
0xf3: {  	v63 =	vld [tilespmem:s14+$0x7800];
	v2 =	vadd.s32 v59, v2  }
0xf4: {  	v2 =	vadd.s32 v3, v2  }
0xf5: {  	v2 =	vadd.s32 v60, v2  }
0xf6: {  	v2 =	vadd.s32 v61, v2  }
0xf7: {  	s12 =	sadd.s32 $0x1, s12;
	v2 =	vadd.s32 v62, v2  }
0xf8: {  	p0 =	sne.s32 s12, s6;
	v2 =	vadd.s32 v63, v2  }
.Ltmp4:
0xf9: {  	[tilespmem:s14+$0x8000] =	vst v2;
	(pc) =	sbr.rel @p0 .LBB2_1-.Ltmp4, $4  }
0xfa: {  	[hbm4b:s5+s2] =	stream.linear.scatter [tilespmem:s10], [sflag:$0x2], $0x800, $0x38;
	[tilespmem:$0x10800] =	vst v63  }
0xfb: {  	_ =	swait.ge [sflag:s11], $0x800  }
0xfc: {  	[sflag:s11] =	ssyncset.done $0x0  }
0xfd: {  	[sflag:s11] =	ssyncadd.s32 $0xFFFFF800  }
0xfe: {  	_ =	sfence.sel $0x180000  }
0xff: {  	[bflag:$0x0] =	sbarrier.arrive $0xFFFF  }
0x100: {  	p0 =	sne.s32 s1, $0x0;
	_ =	strace $0x90000047  }
0x101: {  	s0 =	sadd.s32 @!p0 $0x100000, s0;
	[bflag:$0x2] =	sbarrier.arrive $0xFFFF  }
0x102: {  	[sflag:s0] =	ssyncadd.tile.s32 @!p0 $0x1;
	_ =	shalt  }
.Lfunc_end2:
_tile_overlayer_lowered:
.L_overlay_start_2:
0x103: {  	(tag) =	ssettag $0x2  }
0x104: {  	s0 =	rddreg [dreg:$0x0];
	s2 =	stileid.u32  }
0x105: {  	s1 =	rddreg [dreg:$0x1];
	p0 =	sne.s32 s2, $0x0  }
0x106: {  	s3 =	rddreg [dreg:$0x2];
	[bflag:$0x3] =	sbarrier.arrive $0xFFFF;
	s2 =	simm.s32 @!p0 $0x1C02  }
0x107: {  	[timem:s3], [sflag:s2] =	dma.local @!p0 [hbm:s0], s1  }
0x108: {  	s0 =	simm.s32 @!p0 $0x2  }
0x109: {  	_ =	swait.ge @!p0 [sflag:s0], s1  }
0x10a: {  	s1 =	ssub.s32 @!p0 $0x0, s1;
	[sflag:s0] =	ssyncset.done @!p0 $0x0  }
0x10b: {  	[sflag:s0] =	ssyncadd.s32 @!p0 s1  }
0x10c: {  	[bflag:$0x3] =	sbarrier.arrive $0xFFFF  }
0x10d: {  	_ =	shalt  }

</sc_bundles>
